<compile_context>
chip_gen: v7x
topology: tpu7x:2x2x1
jax: 0.10.2.dev20260603
libtpu: 0.0.44.dev20260713+nightly
codegen_flags: <defaults>
</compile_context>

<pallas_src>
import functools

import jax
import jax.numpy as jnp
from jax import lax
from jax.experimental import pallas as pl
from jax.experimental.pallas import tpu as pltpu
from jax.experimental.pallas import tpu_sc as plsc

VOCAB = 100000
D = 64
BATCH = 4096
TEXT_LEN = 200
TOPIC_LEN = 20

NC = 2
NS = 16
NW = NC * NS

CHUNK = 128
K1 = 4
K2 = 2

B1 = BATCH * TEXT_LEN
B2 = BATCH * TOPIC_LEN
PW1 = B1 // NW
PW2 = B2 // NW
NCH1 = PW1 // CHUNK
NCH2 = PW2 // CHUNK


def _make_kernel(nrows, nch, kk):
    mesh = plsc.VectorSubcoreMesh(core_axis_name="c", subcore_axis_name="s")
    pw = nrows // NW

    @functools.partial(
        pl.kernel,
        mesh=mesh,
        compiler_params=pltpu.CompilerParams(use_tc_tiling_on_sc=False),
        out_type=jax.ShapeDtypeStruct((nrows, D), jnp.float32),
        scratch_types=[
            pltpu.VMEM((nch, CHUNK), jnp.int32),
            pltpu.VMEM((2, kk * CHUNK, D), jnp.float32),
            [pltpu.SemaphoreType.DMA] * 2,
            [pltpu.SemaphoreType.DMA] * 2,
        ],
    )
    def k(table, indices, out_arr, idx_v, rows, gsem, osem):
        wid = lax.axis_index("s") * NC + lax.axis_index("c")

        pltpu.sync_copy(indices.at[wid], idx_v)

        def run(idx, nch, out, base, kk):
            ngroups = nch // kk

            def fire_g(t, s):
                for i in range(kk):
                    pltpu.async_copy(
                        table.at[idx.at[t * kk + i]],
                        rows.at[s, pl.ds(i * CHUNK, CHUNK)],
                        gsem[s],
                    )

            def drain_g(t, s):
                for i in range(kk):
                    pltpu.make_async_copy(
                        table.at[idx.at[t * kk + i]],
                        rows.at[s, pl.ds(i * CHUNK, CHUNK)],
                        gsem[s],
                    ).wait()

            def wb(t, s):
                return pltpu.make_async_copy(
                    rows.at[s, pl.ds(0, kk * CHUNK)],
                    out.at[pl.ds(base + t * kk * CHUNK, kk * CHUNK)],
                    osem[s],
                )

            fire_g(0, 0)
            fire_g(1, 1)
            drain_g(0, 0)
            wb(0, 0).start()

            def body(p, _):
                t0 = 2 + 2 * p
                drain_g(t0 - 1, 1)
                wb(t0 - 1, 1).start()
                wb(t0 - 2, 0).wait()
                fire_g(t0, 0)
                drain_g(t0, 0)
                wb(t0, 0).start()
                wb(t0 - 1, 1).wait()
                fire_g(t0 + 1, 1)
                return 0

            lax.fori_loop(0, (ngroups - 2) // 2, body, 0)

            drain_g(ngroups - 1, 1)
            wb(ngroups - 1, 1).start()
            wb(ngroups - 2, 0).wait()
            wb(ngroups - 1, 1).wait()

        run(idx_v, nch, out_arr, wid * pw, kk)

    return k


_kern_text = _make_kernel(B1, NCH1, K1)
_kern_topic = _make_kernel(B2, NCH2, K2)


def kernel(table, text, topic):
    text_r = text.reshape(NW, NCH1, CHUNK).astype(jnp.int32)
    topic_r = topic.reshape(NW, NCH2, CHUNK).astype(jnp.int32)
    out2 = _kern_topic(table, topic_r)
    out1 = _kern_text(table, text_r)
    return (
        out1.reshape(BATCH, TEXT_LEN, D),
        out2.reshape(BATCH, TOPIC_LEN, D),
    )

# --- scband reference (transcript-rebuilt; emitter-appended) ---
"""Pipeline reference for scband-word-embed-layer-91164975825456 (READ-ONLY COPY).

The authoritative reference and input builder live on the scoring server;
editing this copy changes nothing except your own understanding.
"""

import jax, jax.numpy as jnp
import numpy as np

VOCAB = 100000
EMBED_DIM = 64
BATCH = 4096
TEXT_LEN = 200
TOPIC_LEN = 20

def setup_inputs(seed: int = 0) -> dict:
    key = jax.random.key(seed)
    k1, k2, k3 = jax.random.split(key, 3)
    table = jax.random.normal(k1, (VOCAB, EMBED_DIM), dtype=jnp.float32)
    text = jax.random.randint(k2, (BATCH, TEXT_LEN), 0, VOCAB, dtype=jnp.int64 if jax.config.read('jax_enable_x64') else jnp.int32)
    topic = jax.random.randint(k3, (BATCH, TOPIC_LEN), 0, VOCAB, dtype=jnp.int64 if jax.config.read('jax_enable_x64') else jnp.int32)
    return {"table": table, "text": text, "topic": topic}

def reference(table, text, topic):
    # WordEmbedLayer.forward: embed text and topic with the same pretrained table,
    # cast to float32 (the .type(torch.FloatTensor) call)
    txt_E = jnp.take(table, text, axis=0).astype(jnp.float32)
    top_E = jnp.take(table, topic, axis=0).astype(jnp.float32)
    return (txt_E, top_E)

if __name__ == "__main__":
    import jax
    _d = setup_inputs()
    print(jax.jit(kernel)(*tuple(_d.values())))

</pallas_src>

<mosaic_0001>
#map = affine_map<(d0, d1) -> (0, 0)>
#map1 = affine_map<(d0, d1) -> (0, 0, 0)>
module attributes {stable_mosaic.version = 14 : i64} {
  func.func @k(%arg0: i32, %arg1: i32, %arg2: memref<100000x64xf32, #tpu.memory_space<hbm>>, %arg3: memref<32x200x128xi32, #tpu.memory_space<hbm>>, %arg4: memref<819200x64xf32, #tpu.memory_space<hbm>>, %arg5: memref<200x128xi32, #tpu.memory_space<vmem>>, %arg6: memref<2x512x64xf32, #tpu.memory_space<vmem>>, %arg7: memref<!tpu.dma_semaphore, #tpu.memory_space<semaphore_mem>>, %arg8: memref<!tpu.dma_semaphore, #tpu.memory_space<semaphore_mem>>, %arg9: memref<!tpu.dma_semaphore, #tpu.memory_space<semaphore_mem>>, %arg10: memref<!tpu.dma_semaphore, #tpu.memory_space<semaphore_mem>>) attributes {dimension_semantics = [#tpu.dimension_semantics<core_parallel>, #tpu.dimension_semantics<subcore_parallel>], iteration_bounds = array<i64: 2, 16>, scalar_prefetch = 0 : i64, scratch_operands = 6 : i64, tpu.core_type = #tpu.core_type<sc_vector_subcore>, window_params = [{transform_indices = #map}, {transform_indices = #map1}, {transform_indices = #map}]} {
    %mul3A = arith.constant 2 : i32
    %mul3A_0 = arith.muli %arg1, %mul3A : i32
    %add3A = arith.addi %mul3A_0, %arg0 : i32
    "tpu.region"() ({
      %run_scoped3A = tpu.sem_alloc : memref<!tpu.dma_semaphore, #tpu.memory_space<semaphore_mem>>
      %dma_start3A_259 = arith.constant 0 : i32
      %dma_start3A_260 = arith.constant 0 : i32
      %dma_start3A_261 = tpu.memref_slice %arg3[%add3A, %dma_start3A_259, %dma_start3A_260] : memref<32x200x128xi32, #tpu.memory_space<hbm>> -> memref<1x200x128xi32, #tpu.memory_space<hbm>>
      %dma_start3A_262 = tpu.memref_squeeze %dma_start3A_261 : memref<1x200x128xi32, #tpu.memory_space<hbm>> -> memref<200x128xi32, #tpu.memory_space<hbm>>
      %dma_start3A_263 = arith.constant 0 : i32
      %dma_start3A_264 = arith.constant 0 : i32
      %dma_start3A_265 = tpu.memref_slice %arg3[%add3A, %dma_start3A_263, %dma_start3A_264] : memref<32x200x128xi32, #tpu.memory_space<hbm>> -> memref<1x200x128xi32, #tpu.memory_space<hbm>>
      %dma_start3A_266 = tpu.memref_squeeze %dma_start3A_265 : memref<1x200x128xi32, #tpu.memory_space<hbm>> -> memref<200x128xi32, #tpu.memory_space<hbm>>
      tpu.enqueue_dma source(%dma_start3A_266 : memref<200x128xi32, #tpu.memory_space<hbm>>) target(%arg5 : memref<200x128xi32, #tpu.memory_space<vmem>>) target_semaphore(%run_scoped3A : memref<!tpu.dma_semaphore, #tpu.memory_space<semaphore_mem>>)
      %dma_wait3A_267 = arith.constant 0 : i32
      %dma_wait3A_268 = arith.constant 0 : i32
      %dma_wait3A_269 = tpu.memref_slice %arg3[%add3A, %dma_wait3A_267, %dma_wait3A_268] : memref<32x200x128xi32, #tpu.memory_space<hbm>> -> memref<1x200x128xi32, #tpu.memory_space<hbm>>
      %dma_wait3A_270 = tpu.memref_squeeze %dma_wait3A_269 : memref<1x200x128xi32, #tpu.memory_space<hbm>> -> memref<200x128xi32, #tpu.memory_space<hbm>>
      %dma_wait3A_271 = arith.constant 0 : i32
      %dma_wait3A_272 = arith.constant 0 : i32
      %dma_wait3A_273 = tpu.memref_slice %arg3[%add3A, %dma_wait3A_271, %dma_wait3A_272] : memref<32x200x128xi32, #tpu.memory_space<hbm>> -> memref<1x200x128xi32, #tpu.memory_space<hbm>>
      %dma_wait3A_274 = tpu.memref_squeeze %dma_wait3A_273 : memref<1x200x128xi32, #tpu.memory_space<hbm>> -> memref<200x128xi32, #tpu.memory_space<hbm>>
      tpu.wait_dma2 semaphore(%run_scoped3A : memref<!tpu.dma_semaphore, #tpu.memory_space<semaphore_mem>>) src(%dma_wait3A_274 : memref<200x128xi32, #tpu.memory_space<hbm>>) dst(%arg5 : memref<200x128xi32, #tpu.memory_space<vmem>>)
      tpu.yield
    }) : () -> ()
    %mul3A_1 = arith.constant 25600 : i32
    %mul3A_2 = arith.muli %add3A, %mul3A_1 : i32
    %dma_start3A = arith.constant 0 : i32
    %dma_start3A_3 = arith.constant 0 : i32
    %dma_start3A_4 = arith.constant 0 : i32
    %dma_start3A_5 = arith.constant 0 : i32
    %dma_start3A_6 = tpu.memref_slice %arg6[%dma_start3A_3, %dma_start3A_4, %dma_start3A_5] : memref<2x512x64xf32, #tpu.memory_space<vmem>> -> memref<1x128x64xf32, #tpu.memory_space<vmem>>
    %dma_start3A_7 = tpu.memref_squeeze %dma_start3A_6 : memref<1x128x64xf32, #tpu.memory_space<vmem>> -> memref<128x64xf32, #tpu.memory_space<vmem>>
    %dma_start3A_8 = arith.constant 0 : i32
    %dma_start3A_9 = tpu.memref_slice %arg5[%dma_start3A, %dma_start3A_8] : memref<200x128xi32, #tpu.memory_space<vmem>> -> memref<1x128xi32, #tpu.memory_space<vmem>>
    %dma_start3A_10 = tpu.memref_squeeze %dma_start3A_9 : memref<1x128xi32, #tpu.memory_space<vmem>> -> memref<128xi32, #tpu.memory_space<vmem>>
    %dma_start3A_11 = arith.constant 0 : i32
    %dma_start3A_12 = arith.constant 0 : i32
    %dma_start3A_13 = tpu.memref_slice %arg2[%dma_start3A_11, %dma_start3A_12] : memref<100000x64xf32, #tpu.memory_space<hbm>> -> memref<100000x64xf32, #tpu.memory_space<hbm>>
    tpu.enqueue_indirect_dma source(%dma_start3A_13 : memref<100000x64xf32, #tpu.memory_space<hbm>>) target(%dma_start3A_7 : memref<128x64xf32, #tpu.memory_space<vmem>>) offsets(%dma_start3A_10 : memref<128xi32, #tpu.memory_space<vmem>>) semaphore(%arg7 : memref<!tpu.dma_semaphore, #tpu.memory_space<semaphore_mem>>)
    %dma_start3A_14 = arith.constant 1 : i32
    %dma_start3A_15 = arith.constant 0 : i32
    %dma_start3A_16 = arith.constant 128 : i32
    %dma_start3A_17 = arith.constant 0 : i32
    %dma_start3A_18 = tpu.memref_slice %arg6[%dma_start3A_15, %dma_start3A_16, %dma_start3A_17] : memref<2x512x64xf32, #tpu.memory_space<vmem>> -> memref<1x128x64xf32, #tpu.memory_space<vmem>>
    %dma_start3A_19 = tpu.memref_squeeze %dma_start3A_18 : memref<1x128x64xf32, #tpu.memory_space<vmem>> -> memref<128x64xf32, #tpu.memory_space<vmem>>
    %dma_start3A_20 = arith.constant 0 : i32
    %dma_start3A_21 = tpu.memref_slice %arg5[%dma_start3A_14, %dma_start3A_20] : memref<200x128xi32, #tpu.memory_space<vmem>> -> memref<1x128xi32, #tpu.memory_space<vmem>>
    %dma_start3A_22 = tpu.memref_squeeze %dma_start3A_21 : memref<1x128xi32, #tpu.memory_space<vmem>> -> memref<128xi32, #tpu.memory_space<vmem>>
    %dma_start3A_23 = arith.constant 0 : i32
    %dma_start3A_24 = arith.constant 0 : i32
    %dma_start3A_25 = tpu.memref_slice %arg2[%dma_start3A_23, %dma_start3A_24] : memref<100000x64xf32, #tpu.memory_space<hbm>> -> memref<100000x64xf32, #tpu.memory_space<hbm>>
    tpu.enqueue_indirect_dma source(%dma_start3A_25 : memref<100000x64xf32, #tpu.memory_space<hbm>>) target(%dma_start3A_19 : memref<128x64xf32, #tpu.memory_space<vmem>>) offsets(%dma_start3A_22 : memref<128xi32, #tpu.memory_space<vmem>>) semaphore(%arg7 : memref<!tpu.dma_semaphore, #tpu.memory_space<semaphore_mem>>)
    %dma_start3A_26 = arith.constant 2 : i32
    %dma_start3A_27 = arith.constant 0 : i32
    %dma_start3A_28 = arith.constant 256 : i32
    %dma_start3A_29 = arith.constant 0 : i32
    %dma_start3A_30 = tpu.memref_slice %arg6[%dma_start3A_27, %dma_start3A_28, %dma_start3A_29] : memref<2x512x64xf32, #tpu.memory_space<vmem>> -> memref<1x128x64xf32, #tpu.memory_space<vmem>>
    %dma_start3A_31 = tpu.memref_squeeze %dma_start3A_30 : memref<1x128x64xf32, #tpu.memory_space<vmem>> -> memref<128x64xf32, #tpu.memory_space<vmem>>
    %dma_start3A_32 = arith.constant 0 : i32
    %dma_start3A_33 = tpu.memref_slice %arg5[%dma_start3A_26, %dma_start3A_32] : memref<200x128xi32, #tpu.memory_space<vmem>> -> memref<1x128xi32, #tpu.memory_space<vmem>>
    %dma_start3A_34 = tpu.memref_squeeze %dma_start3A_33 : memref<1x128xi32, #tpu.memory_space<vmem>> -> memref<128xi32, #tpu.memory_space<vmem>>
    %dma_start3A_35 = arith.constant 0 : i32
    %dma_start3A_36 = arith.constant 0 : i32
    %dma_start3A_37 = tpu.memref_slice %arg2[%dma_start3A_35, %dma_start3A_36] : memref<100000x64xf32, #tpu.memory_space<hbm>> -> memref<100000x64xf32, #tpu.memory_space<hbm>>
    tpu.enqueue_indirect_dma source(%dma_start3A_37 : memref<100000x64xf32, #tpu.memory_space<hbm>>) target(%dma_start3A_31 : memref<128x64xf32, #tpu.memory_space<vmem>>) offsets(%dma_start3A_34 : memref<128xi32, #tpu.memory_space<vmem>>) semaphore(%arg7 : memref<!tpu.dma_semaphore, #tpu.memory_space<semaphore_mem>>)
    %dma_start3A_38 = arith.constant 3 : i32
    %dma_start3A_39 = arith.constant 0 : i32
    %dma_start3A_40 = arith.constant 384 : i32
    %dma_start3A_41 = arith.constant 0 : i32
    %dma_start3A_42 = tpu.memref_slice %arg6[%dma_start3A_39, %dma_start3A_40, %dma_start3A_41] : memref<2x512x64xf32, #tpu.memory_space<vmem>> -> memref<1x128x64xf32, #tpu.memory_space<vmem>>
    %dma_start3A_43 = tpu.memref_squeeze %dma_start3A_42 : memref<1x128x64xf32, #tpu.memory_space<vmem>> -> memref<128x64xf32, #tpu.memory_space<vmem>>
    %dma_start3A_44 = arith.constant 0 : i32
    %dma_start3A_45 = tpu.memref_slice %arg5[%dma_start3A_38, %dma_start3A_44] : memref<200x128xi32, #tpu.memory_space<vmem>> -> memref<1x128xi32, #tpu.memory_space<vmem>>
    %dma_start3A_46 = tpu.memref_squeeze %dma_start3A_45 : memref<1x128xi32, #tpu.memory_space<vmem>> -> memref<128xi32, #tpu.memory_space<vmem>>
    %dma_start3A_47 = arith.constant 0 : i32
    %dma_start3A_48 = arith.constant 0 : i32
    %dma_start3A_49 = tpu.memref_slice %arg2[%dma_start3A_47, %dma_start3A_48] : memref<100000x64xf32, #tpu.memory_space<hbm>> -> memref<100000x64xf32, #tpu.memory_space<hbm>>
    tpu.enqueue_indirect_dma source(%dma_start3A_49 : memref<100000x64xf32, #tpu.memory_space<hbm>>) target(%dma_start3A_43 : memref<128x64xf32, #tpu.memory_space<vmem>>) offsets(%dma_start3A_46 : memref<128xi32, #tpu.memory_space<vmem>>) semaphore(%arg7 : memref<!tpu.dma_semaphore, #tpu.memory_space<semaphore_mem>>)
    %dma_start3A_50 = arith.constant 4 : i32
    %dma_start3A_51 = arith.constant 1 : i32
    %dma_start3A_52 = arith.constant 0 : i32
    %dma_start3A_53 = arith.constant 0 : i32
    %dma_start3A_54 = tpu.memref_slice %arg6[%dma_start3A_51, %dma_start3A_52, %dma_start3A_53] : memref<2x512x64xf32, #tpu.memory_space<vmem>> -> memref<1x128x64xf32, #tpu.memory_space<vmem>>
    %dma_start3A_55 = tpu.memref_squeeze %dma_start3A_54 : memref<1x128x64xf32, #tpu.memory_space<vmem>> -> memref<128x64xf32, #tpu.memory_space<vmem>>
    %dma_start3A_56 = arith.constant 0 : i32
    %dma_start3A_57 = tpu.memref_slice %arg5[%dma_start3A_50, %dma_start3A_56] : memref<200x128xi32, #tpu.memory_space<vmem>> -> memref<1x128xi32, #tpu.memory_space<vmem>>
    %dma_start3A_58 = tpu.memref_squeeze %dma_start3A_57 : memref<1x128xi32, #tpu.memory_space<vmem>> -> memref<128xi32, #tpu.memory_space<vmem>>
    %dma_start3A_59 = arith.constant 0 : i32
    %dma_start3A_60 = arith.constant 0 : i32
    %dma_start3A_61 = tpu.memref_slice %arg2[%dma_start3A_59, %dma_start3A_60] : memref<100000x64xf32, #tpu.memory_space<hbm>> -> memref<100000x64xf32, #tpu.memory_space<hbm>>
    tpu.enqueue_indirect_dma source(%dma_start3A_61 : memref<100000x64xf32, #tpu.memory_space<hbm>>) target(%dma_start3A_55 : memref<128x64xf32, #tpu.memory_space<vmem>>) offsets(%dma_start3A_58 : memref<128xi32, #tpu.memory_space<vmem>>) semaphore(%arg8 : memref<!tpu.dma_semaphore, #tpu.memory_space<semaphore_mem>>)
    %dma_start3A_62 = arith.constant 5 : i32
    %dma_start3A_63 = arith.constant 1 : i32
    %dma_start3A_64 = arith.constant 128 : i32
    %dma_start3A_65 = arith.constant 0 : i32
    %dma_start3A_66 = tpu.memref_slice %arg6[%dma_start3A_63, %dma_start3A_64, %dma_start3A_65] : memref<2x512x64xf32, #tpu.memory_space<vmem>> -> memref<1x128x64xf32, #tpu.memory_space<vmem>>
    %dma_start3A_67 = tpu.memref_squeeze %dma_start3A_66 : memref<1x128x64xf32, #tpu.memory_space<vmem>> -> memref<128x64xf32, #tpu.memory_space<vmem>>
    %dma_start3A_68 = arith.constant 0 : i32
    %dma_start3A_69 = tpu.memref_slice %arg5[%dma_start3A_62, %dma_start3A_68] : memref<200x128xi32, #tpu.memory_space<vmem>> -> memref<1x128xi32, #tpu.memory_space<vmem>>
    %dma_start3A_70 = tpu.memref_squeeze %dma_start3A_69 : memref<1x128xi32, #tpu.memory_space<vmem>> -> memref<128xi32, #tpu.memory_space<vmem>>
    %dma_start3A_71 = arith.constant 0 : i32
    %dma_start3A_72 = arith.constant 0 : i32
    %dma_start3A_73 = tpu.memref_slice %arg2[%dma_start3A_71, %dma_start3A_72] : memref<100000x64xf32, #tpu.memory_space<hbm>> -> memref<100000x64xf32, #tpu.memory_space<hbm>>
    tpu.enqueue_indirect_dma source(%dma_start3A_73 : memref<100000x64xf32, #tpu.memory_space<hbm>>) target(%dma_start3A_67 : memref<128x64xf32, #tpu.memory_space<vmem>>) offsets(%dma_start3A_70 : memref<128xi32, #tpu.memory_space<vmem>>) semaphore(%arg8 : memref<!tpu.dma_semaphore, #tpu.memory_space<semaphore_mem>>)
    %dma_start3A_74 = arith.constant 6 : i32
    %dma_start3A_75 = arith.constant 1 : i32
    %dma_start3A_76 = arith.constant 256 : i32
    %dma_start3A_77 = arith.constant 0 : i32
    %dma_start3A_78 = tpu.memref_slice %arg6[%dma_start3A_75, %dma_start3A_76, %dma_start3A_77] : memref<2x512x64xf32, #tpu.memory_space<vmem>> -> memref<1x128x64xf32, #tpu.memory_space<vmem>>
    %dma_start3A_79 = tpu.memref_squeeze %dma_start3A_78 : memref<1x128x64xf32, #tpu.memory_space<vmem>> -> memref<128x64xf32, #tpu.memory_space<vmem>>
    %dma_start3A_80 = arith.constant 0 : i32
    %dma_start3A_81 = tpu.memref_slice %arg5[%dma_start3A_74, %dma_start3A_80] : memref<200x128xi32, #tpu.memory_space<vmem>> -> memref<1x128xi32, #tpu.memory_space<vmem>>
    %dma_start3A_82 = tpu.memref_squeeze %dma_start3A_81 : memref<1x128xi32, #tpu.memory_space<vmem>> -> memref<128xi32, #tpu.memory_space<vmem>>
    %dma_start3A_83 = arith.constant 0 : i32
    %dma_start3A_84 = arith.constant 0 : i32
    %dma_start3A_85 = tpu.memref_slice %arg2[%dma_start3A_83, %dma_start3A_84] : memref<100000x64xf32, #tpu.memory_space<hbm>> -> memref<100000x64xf32, #tpu.memory_space<hbm>>
    tpu.enqueue_indirect_dma source(%dma_start3A_85 : memref<100000x64xf32, #tpu.memory_space<hbm>>) target(%dma_start3A_79 : memref<128x64xf32, #tpu.memory_space<vmem>>) offsets(%dma_start3A_82 : memref<128xi32, #tpu.memory_space<vmem>>) semaphore(%arg8 : memref<!tpu.dma_semaphore, #tpu.memory_space<semaphore_mem>>)
    %dma_start3A_86 = arith.constant 7 : i32
    %dma_start3A_87 = arith.constant 1 : i32
    %dma_start3A_88 = arith.constant 384 : i32
    %dma_start3A_89 = arith.constant 0 : i32
    %dma_start3A_90 = tpu.memref_slice %arg6[%dma_start3A_87, %dma_start3A_88, %dma_start3A_89] : memref<2x512x64xf32, #tpu.memory_space<vmem>> -> memref<1x128x64xf32, #tpu.memory_space<vmem>>
    %dma_start3A_91 = tpu.memref_squeeze %dma_start3A_90 : memref<1x128x64xf32, #tpu.memory_space<vmem>> -> memref<128x64xf32, #tpu.memory_space<vmem>>
    %dma_start3A_92 = arith.constant 0 : i32
    %dma_start3A_93 = tpu.memref_slice %arg5[%dma_start3A_86, %dma_start3A_92] : memref<200x128xi32, #tpu.memory_space<vmem>> -> memref<1x128xi32, #tpu.memory_space<vmem>>
    %dma_start3A_94 = tpu.memref_squeeze %dma_start3A_93 : memref<1x128xi32, #tpu.memory_space<vmem>> -> memref<128xi32, #tpu.memory_space<vmem>>
    %dma_start3A_95 = arith.constant 0 : i32
    %dma_start3A_96 = arith.constant 0 : i32
    %dma_start3A_97 = tpu.memref_slice %arg2[%dma_start3A_95, %dma_start3A_96] : memref<100000x64xf32, #tpu.memory_space<hbm>> -> memref<100000x64xf32, #tpu.memory_space<hbm>>
    tpu.enqueue_indirect_dma source(%dma_start3A_97 : memref<100000x64xf32, #tpu.memory_space<hbm>>) target(%dma_start3A_91 : memref<128x64xf32, #tpu.memory_space<vmem>>) offsets(%dma_start3A_94 : memref<128xi32, #tpu.memory_space<vmem>>) semaphore(%arg8 : memref<!tpu.dma_semaphore, #tpu.memory_space<semaphore_mem>>)
    %dma_wait3A = arith.constant 0 : i32
    %dma_wait3A_98 = arith.constant 0 : i32
    %dma_wait3A_99 = arith.constant 0 : i32
    %dma_wait3A_100 = arith.constant 0 : i32
    %dma_wait3A_101 = tpu.memref_slice %arg6[%dma_wait3A_98, %dma_wait3A_99, %dma_wait3A_100] : memref<2x512x64xf32, #tpu.memory_space<vmem>> -> memref<1x128x64xf32, #tpu.memory_space<vmem>>
    %dma_wait3A_102 = tpu.memref_squeeze %dma_wait3A_101 : memref<1x128x64xf32, #tpu.memory_space<vmem>> -> memref<128x64xf32, #tpu.memory_space<vmem>>
    %dma_wait3A_103 = arith.constant 0 : i32
    %dma_wait3A_104 = tpu.memref_slice %arg5[%dma_wait3A, %dma_wait3A_103] : memref<200x128xi32, #tpu.memory_space<vmem>> -> memref<1x128xi32, #tpu.memory_space<vmem>>
    %dma_wait3A_105 = tpu.memref_squeeze %dma_wait3A_104 : memref<1x128xi32, #tpu.memory_space<vmem>> -> memref<128xi32, #tpu.memory_space<vmem>>
    %dma_wait3A_106 = arith.constant 0 : i32
    %dma_wait3A_107 = arith.constant 0 : i32
    %dma_wait3A_108 = tpu.memref_slice %arg2[%dma_wait3A_106, %dma_wait3A_107] : memref<100000x64xf32, #tpu.memory_space<hbm>> -> memref<100000x64xf32, #tpu.memory_space<hbm>>
    tpu.wait_indirect_dma semaphore(%arg7 : memref<!tpu.dma_semaphore, #tpu.memory_space<semaphore_mem>>) src(%dma_wait3A_108 : memref<100000x64xf32, #tpu.memory_space<hbm>>) dst(%dma_wait3A_102 : memref<128x64xf32, #tpu.memory_space<vmem>>)
    %dma_wait3A_109 = arith.constant 1 : i32
    %dma_wait3A_110 = arith.constant 0 : i32
    %dma_wait3A_111 = arith.constant 128 : i32
    %dma_wait3A_112 = arith.constant 0 : i32
    %dma_wait3A_113 = tpu.memref_slice %arg6[%dma_wait3A_110, %dma_wait3A_111, %dma_wait3A_112] : memref<2x512x64xf32, #tpu.memory_space<vmem>> -> memref<1x128x64xf32, #tpu.memory_space<vmem>>
    %dma_wait3A_114 = tpu.memref_squeeze %dma_wait3A_113 : memref<1x128x64xf32, #tpu.memory_space<vmem>> -> memref<128x64xf32, #tpu.memory_space<vmem>>
    %dma_wait3A_115 = arith.constant 0 : i32
    %dma_wait3A_116 = tpu.memref_slice %arg5[%dma_wait3A_109, %dma_wait3A_115] : memref<200x128xi32, #tpu.memory_space<vmem>> -> memref<1x128xi32, #tpu.memory_space<vmem>>
    %dma_wait3A_117 = tpu.memref_squeeze %dma_wait3A_116 : memref<1x128xi32, #tpu.memory_space<vmem>> -> memref<128xi32, #tpu.memory_space<vmem>>
    %dma_wait3A_118 = arith.constant 0 : i32
    %dma_wait3A_119 = arith.constant 0 : i32
    %dma_wait3A_120 = tpu.memref_slice %arg2[%dma_wait3A_118, %dma_wait3A_119] : memref<100000x64xf32, #tpu.memory_space<hbm>> -> memref<100000x64xf32, #tpu.memory_space<hbm>>
    tpu.wait_indirect_dma semaphore(%arg7 : memref<!tpu.dma_semaphore, #tpu.memory_space<semaphore_mem>>) src(%dma_wait3A_120 : memref<100000x64xf32, #tpu.memory_space<hbm>>) dst(%dma_wait3A_114 : memref<128x64xf32, #tpu.memory_space<vmem>>)
    %dma_wait3A_121 = arith.constant 2 : i32
    %dma_wait3A_122 = arith.constant 0 : i32
    %dma_wait3A_123 = arith.constant 256 : i32
    %dma_wait3A_124 = arith.constant 0 : i32
    %dma_wait3A_125 = tpu.memref_slice %arg6[%dma_wait3A_122, %dma_wait3A_123, %dma_wait3A_124] : memref<2x512x64xf32, #tpu.memory_space<vmem>> -> memref<1x128x64xf32, #tpu.memory_space<vmem>>
    %dma_wait3A_126 = tpu.memref_squeeze %dma_wait3A_125 : memref<1x128x64xf32, #tpu.memory_space<vmem>> -> memref<128x64xf32, #tpu.memory_space<vmem>>
    %dma_wait3A_127 = arith.constant 0 : i32
    %dma_wait3A_128 = tpu.memref_slice %arg5[%dma_wait3A_121, %dma_wait3A_127] : memref<200x128xi32, #tpu.memory_space<vmem>> -> memref<1x128xi32, #tpu.memory_space<vmem>>
    %dma_wait3A_129 = tpu.memref_squeeze %dma_wait3A_128 : memref<1x128xi32, #tpu.memory_space<vmem>> -> memref<128xi32, #tpu.memory_space<vmem>>
    %dma_wait3A_130 = arith.constant 0 : i32
    %dma_wait3A_131 = arith.constant 0 : i32
    %dma_wait3A_132 = tpu.memref_slice %arg2[%dma_wait3A_130, %dma_wait3A_131] : memref<100000x64xf32, #tpu.memory_space<hbm>> -> memref<100000x64xf32, #tpu.memory_space<hbm>>
    tpu.wait_indirect_dma semaphore(%arg7 : memref<!tpu.dma_semaphore, #tpu.memory_space<semaphore_mem>>) src(%dma_wait3A_132 : memref<100000x64xf32, #tpu.memory_space<hbm>>) dst(%dma_wait3A_126 : memref<128x64xf32, #tpu.memory_space<vmem>>)
    %dma_wait3A_133 = arith.constant 3 : i32
    %dma_wait3A_134 = arith.constant 0 : i32
    %dma_wait3A_135 = arith.constant 384 : i32
    %dma_wait3A_136 = arith.constant 0 : i32
    %dma_wait3A_137 = tpu.memref_slice %arg6[%dma_wait3A_134, %dma_wait3A_135, %dma_wait3A_136] : memref<2x512x64xf32, #tpu.memory_space<vmem>> -> memref<1x128x64xf32, #tpu.memory_space<vmem>>
    %dma_wait3A_138 = tpu.memref_squeeze %dma_wait3A_137 : memref<1x128x64xf32, #tpu.memory_space<vmem>> -> memref<128x64xf32, #tpu.memory_space<vmem>>
    %dma_wait3A_139 = arith.constant 0 : i32
    %dma_wait3A_140 = tpu.memref_slice %arg5[%dma_wait3A_133, %dma_wait3A_139] : memref<200x128xi32, #tpu.memory_space<vmem>> -> memref<1x128xi32, #tpu.memory_space<vmem>>
    %dma_wait3A_141 = tpu.memref_squeeze %dma_wait3A_140 : memref<1x128xi32, #tpu.memory_space<vmem>> -> memref<128xi32, #tpu.memory_space<vmem>>
    %dma_wait3A_142 = arith.constant 0 : i32
    %dma_wait3A_143 = arith.constant 0 : i32
    %dma_wait3A_144 = tpu.memref_slice %arg2[%dma_wait3A_142, %dma_wait3A_143] : memref<100000x64xf32, #tpu.memory_space<hbm>> -> memref<100000x64xf32, #tpu.memory_space<hbm>>
    tpu.wait_indirect_dma semaphore(%arg7 : memref<!tpu.dma_semaphore, #tpu.memory_space<semaphore_mem>>) src(%dma_wait3A_144 : memref<100000x64xf32, #tpu.memory_space<hbm>>) dst(%dma_wait3A_138 : memref<128x64xf32, #tpu.memory_space<vmem>>)
    %add3A_145 = arith.constant 0 : i32
    %add3A_146 = arith.addi %mul3A_2, %add3A_145 : i32
    %dma_start3A_147 = arith.constant 0 : i32
    %dma_start3A_148 = arith.constant 0 : i32
    %dma_start3A_149 = arith.constant 0 : i32
    %dma_start3A_150 = tpu.memref_slice %arg6[%dma_start3A_147, %dma_start3A_148, %dma_start3A_149] : memref<2x512x64xf32, #tpu.memory_space<vmem>> -> memref<1x512x64xf32, #tpu.memory_space<vmem>>
    %dma_start3A_151 = tpu.memref_squeeze %dma_start3A_150 : memref<1x512x64xf32, #tpu.memory_space<vmem>> -> memref<512x64xf32, #tpu.memory_space<vmem>>
    %dma_start3A_152 = arith.constant 0 : i32
    %dma_start3A_153 = tpu.memref_slice %arg4[%add3A_146, %dma_start3A_152] : memref<819200x64xf32, #tpu.memory_space<hbm>> -> memref<512x64xf32, #tpu.memory_space<hbm>>
    %dma_start3A_154 = arith.constant 0 : i32
    %dma_start3A_155 = tpu.memref_slice %arg4[%add3A_146, %dma_start3A_154] : memref<819200x64xf32, #tpu.memory_space<hbm>> -> memref<512x64xf32, #tpu.memory_space<hbm>>
    %dma_start3A_156 = arith.constant 0 : i32
    %dma_start3A_157 = arith.constant 0 : i32
    %dma_start3A_158 = tpu.memref_slice %arg6[%dma_start3A_147, %dma_start3A_156, %dma_start3A_157] : memref<2x512x64xf32, #tpu.memory_space<vmem>> -> memref<1x512x64xf32, #tpu.memory_space<vmem>>
    %dma_start3A_159 = tpu.memref_squeeze %dma_start3A_158 : memref<1x512x64xf32, #tpu.memory_space<vmem>> -> memref<512x64xf32, #tpu.memory_space<vmem>>
    tpu.enqueue_dma source(%dma_start3A_159 : memref<512x64xf32, #tpu.memory_space<vmem>>) target(%dma_start3A_155 : memref<512x64xf32, #tpu.memory_space<hbm>>) target_semaphore(%arg9 : memref<!tpu.dma_semaphore, #tpu.memory_space<semaphore_mem>>)
    %scan3A = arith.constant 0 : i32
    %scan3A_160 = arith.constant 0 : i32
    %scan3A_161 = arith.constant 24 : i32
    %scan3A_162 = arith.addi %scan3A_160, %scan3A_161 : i32
    %scan3A_163 = arith.constant 1 : i32
    %scan3A_164 = scf.for %scan3A_259 = %scan3A_160 to %scan3A_162 step %scan3A_163 iter_args(%scan3A_260 = %scan3A) -> (i32)  : i32 {
      %mul3A_261 = arith.constant 2 : i32
      %mul3A_262 = arith.muli %mul3A_261, %scan3A_259 : i32
      %add3A_263 = arith.constant 2 : i32
      %add3A_264 = arith.addi %add3A_263, %mul3A_262 : i32
      %sub3A = arith.constant 1 : i32
      %sub3A_265 = arith.subi %add3A_264, %sub3A : i32
      %mul3A_266 = arith.constant 4 : i32
      %mul3A_267 = arith.muli %sub3A_265, %mul3A_266 : i32
      %add3A_268 = arith.constant 0 : i32
      %add3A_269 = arith.addi %mul3A_267, %add3A_268 : i32
      %dma_wait3A_270 = arith.constant 1 : i32
      %dma_wait3A_271 = arith.constant 0 : i32
      %dma_wait3A_272 = arith.constant 0 : i32
      %dma_wait3A_273 = tpu.memref_slice %arg6[%dma_wait3A_270, %dma_wait3A_271, %dma_wait3A_272] : memref<2x512x64xf32, #tpu.memory_space<vmem>> -> memref<1x128x64xf32, #tpu.memory_space<vmem>>
      %dma_wait3A_274 = tpu.memref_squeeze %dma_wait3A_273 : memref<1x128x64xf32, #tpu.memory_space<vmem>> -> memref<128x64xf32, #tpu.memory_space<vmem>>
      %dma_wait3A_275 = arith.constant 0 : i32
      %dma_wait3A_276 = tpu.memref_slice %arg5[%add3A_269, %dma_wait3A_275] : memref<200x128xi32, #tpu.memory_space<vmem>> -> memref<1x128xi32, #tpu.memory_space<vmem>>
      %dma_wait3A_277 = tpu.memref_squeeze %dma_wait3A_276 : memref<1x128xi32, #tpu.memory_space<vmem>> -> memref<128xi32, #tpu.memory_space<vmem>>
      %dma_wait3A_278 = arith.constant 0 : i32
      %dma_wait3A_279 = arith.constant 0 : i32
      %dma_wait3A_280 = tpu.memref_slice %arg2[%dma_wait3A_278, %dma_wait3A_279] : memref<100000x64xf32, #tpu.memory_space<hbm>> -> memref<100000x64xf32, #tpu.memory_space<hbm>>
      tpu.wait_indirect_dma semaphore(%arg8 : memref<!tpu.dma_semaphore, #tpu.memory_space<semaphore_mem>>) src(%dma_wait3A_280 : memref<100000x64xf32, #tpu.memory_space<hbm>>) dst(%dma_wait3A_274 : memref<128x64xf32, #tpu.memory_space<vmem>>)
      %mul3A_281 = arith.constant 4 : i32
      %mul3A_282 = arith.muli %sub3A_265, %mul3A_281 : i32
      %add3A_283 = arith.constant 1 : i32
      %add3A_284 = arith.addi %mul3A_282, %add3A_283 : i32
      %dma_wait3A_285 = arith.constant 1 : i32
      %dma_wait3A_286 = arith.constant 128 : i32
      %dma_wait3A_287 = arith.constant 0 : i32
      %dma_wait3A_288 = tpu.memref_slice %arg6[%dma_wait3A_285, %dma_wait3A_286, %dma_wait3A_287] : memref<2x512x64xf32, #tpu.memory_space<vmem>> -> memref<1x128x64xf32, #tpu.memory_space<vmem>>
      %dma_wait3A_289 = tpu.memref_squeeze %dma_wait3A_288 : memref<1x128x64xf32, #tpu.memory_space<vmem>> -> memref<128x64xf32, #tpu.memory_space<vmem>>
      %dma_wait3A_290 = arith.constant 0 : i32
      %dma_wait3A_291 = tpu.memref_slice %arg5[%add3A_284, %dma_wait3A_290] : memref<200x128xi32, #tpu.memory_space<vmem>> -> memref<1x128xi32, #tpu.memory_space<vmem>>
      %dma_wait3A_292 = tpu.memref_squeeze %dma_wait3A_291 : memref<1x128xi32, #tpu.memory_space<vmem>> -> memref<128xi32, #tpu.memory_space<vmem>>
      %dma_wait3A_293 = arith.constant 0 : i32
      %dma_wait3A_294 = arith.constant 0 : i32
      %dma_wait3A_295 = tpu.memref_slice %arg2[%dma_wait3A_293, %dma_wait3A_294] : memref<100000x64xf32, #tpu.memory_space<hbm>> -> memref<100000x64xf32, #tpu.memory_space<hbm>>
      tpu.wait_indirect_dma semaphore(%arg8 : memref<!tpu.dma_semaphore, #tpu.memory_space<semaphore_mem>>) src(%dma_wait3A_295 : memref<100000x64xf32, #tpu.memory_space<hbm>>) dst(%dma_wait3A_289 : memref<128x64xf32, #tpu.memory_space<vmem>>)
      %mul3A_296 = arith.constant 4 : i32
      %mul3A_297 = arith.muli %sub3A_265, %mul3A_296 : i32
      %add3A_298 = arith.constant 2 : i32
      %add3A_299 = arith.addi %mul3A_297, %add3A_298 : i32
      %dma_wait3A_300 = arith.constant 1 : i32
      %dma_wait3A_301 = arith.constant 256 : i32
      %dma_wait3A_302 = arith.constant 0 : i32
      %dma_wait3A_303 = tpu.memref_slice %arg6[%dma_wait3A_300, %dma_wait3A_301, %dma_wait3A_302] : memref<2x512x64xf32, #tpu.memory_space<vmem>> -> memref<1x128x64xf32, #tpu.memory_space<vmem>>
      %dma_wait3A_304 = tpu.memref_squeeze %dma_wait3A_303 : memref<1x128x64xf32, #tpu.memory_space<vmem>> -> memref<128x64xf32, #tpu.memory_space<vmem>>
      %dma_wait3A_305 = arith.constant 0 : i32
      %dma_wait3A_306 = tpu.memref_slice %arg5[%add3A_299, %dma_wait3A_305] : memref<200x128xi32, #tpu.memory_space<vmem>> -> memref<1x128xi32, #tpu.memory_space<vmem>>
      %dma_wait3A_307 = tpu.memref_squeeze %dma_wait3A_306 : memref<1x128xi32, #tpu.memory_space<vmem>> -> memref<128xi32, #tpu.memory_space<vmem>>
      %dma_wait3A_308 = arith.constant 0 : i32
      %dma_wait3A_309 = arith.constant 0 : i32
      %dma_wait3A_310 = tpu.memref_slice %arg2[%dma_wait3A_308, %dma_wait3A_309] : memref<100000x64xf32, #tpu.memory_space<hbm>> -> memref<100000x64xf32, #tpu.memory_space<hbm>>
      tpu.wait_indirect_dma semaphore(%arg8 : memref<!tpu.dma_semaphore, #tpu.memory_space<semaphore_mem>>) src(%dma_wait3A_310 : memref<100000x64xf32, #tpu.memory_space<hbm>>) dst(%dma_wait3A_304 : memref<128x64xf32, #tpu.memory_space<vmem>>)
      %mul3A_311 = arith.constant 4 : i32
      %mul3A_312 = arith.muli %sub3A_265, %mul3A_311 : i32
      %add3A_313 = arith.constant 3 : i32
      %add3A_314 = arith.addi %mul3A_312, %add3A_313 : i32
      %dma_wait3A_315 = arith.constant 1 : i32
      %dma_wait3A_316 = arith.constant 384 : i32
      %dma_wait3A_317 = arith.constant 0 : i32
      %dma_wait3A_318 = tpu.memref_slice %arg6[%dma_wait3A_315, %dma_wait3A_316, %dma_wait3A_317] : memref<2x512x64xf32, #tpu.memory_space<vmem>> -> memref<1x128x64xf32, #tpu.memory_space<vmem>>
      %dma_wait3A_319 = tpu.memref_squeeze %dma_wait3A_318 : memref<1x128x64xf32, #tpu.memory_space<vmem>> -> memref<128x64xf32, #tpu.memory_space<vmem>>
      %dma_wait3A_320 = arith.constant 0 : i32
      %dma_wait3A_321 = tpu.memref_slice %arg5[%add3A_314, %dma_wait3A_320] : memref<200x128xi32, #tpu.memory_space<vmem>> -> memref<1x128xi32, #tpu.memory_space<vmem>>
      %dma_wait3A_322 = tpu.memref_squeeze %dma_wait3A_321 : memref<1x128xi32, #tpu.memory_space<vmem>> -> memref<128xi32, #tpu.memory_space<vmem>>
      %dma_wait3A_323 = arith.constant 0 : i32
      %dma_wait3A_324 = arith.constant 0 : i32
      %dma_wait3A_325 = tpu.memref_slice %arg2[%dma_wait3A_323, %dma_wait3A_324] : memref<100000x64xf32, #tpu.memory_space<hbm>> -> memref<100000x64xf32, #tpu.memory_space<hbm>>
      tpu.wait_indirect_dma semaphore(%arg8 : memref<!tpu.dma_semaphore, #tpu.memory_space<semaphore_mem>>) src(%dma_wait3A_325 : memref<100000x64xf32, #tpu.memory_space<hbm>>) dst(%dma_wait3A_319 : memref<128x64xf32, #tpu.memory_space<vmem>>)
      %sub3A_326 = arith.constant 1 : i32
      %sub3A_327 = arith.subi %add3A_264, %sub3A_326 : i32
      %mul3A_328 = arith.constant 4 : i32
      %mul3A_329 = arith.muli %sub3A_327, %mul3A_328 : i32
      %mul3A_330 = arith.constant 128 : i32
      %mul3A_331 = arith.muli %mul3A_329, %mul3A_330 : i32
      %add3A_332 = arith.addi %mul3A_2, %mul3A_331 : i32
      %dma_start3A_333 = arith.constant 1 : i32
      %dma_start3A_334 = arith.constant 0 : i32
      %dma_start3A_335 = arith.constant 0 : i32
      %dma_start3A_336 = tpu.memref_slice %arg6[%dma_start3A_333, %dma_start3A_334, %dma_start3A_335] : memref<2x512x64xf32, #tpu.memory_space<vmem>> -> memref<1x512x64xf32, #tpu.memory_space<vmem>>
      %dma_start3A_337 = tpu.memref_squeeze %dma_start3A_336 : memref<1x512x64xf32, #tpu.memory_space<vmem>> -> memref<512x64xf32, #tpu.memory_space<vmem>>
      %dma_start3A_338 = arith.constant 0 : i32
      %dma_start3A_339 = tpu.memref_slice %arg4[%add3A_332, %dma_start3A_338] : memref<819200x64xf32, #tpu.memory_space<hbm>> -> memref<512x64xf32, #tpu.memory_space<hbm>>
      %dma_start3A_340 = arith.constant 0 : i32
      %dma_start3A_341 = tpu.memref_slice %arg4[%add3A_332, %dma_start3A_340] : memref<819200x64xf32, #tpu.memory_space<hbm>> -> memref<512x64xf32, #tpu.memory_space<hbm>>
      %dma_start3A_342 = arith.constant 0 : i32
      %dma_start3A_343 = arith.constant 0 : i32
      %dma_start3A_344 = tpu.memref_slice %arg6[%dma_start3A_333, %dma_start3A_342, %dma_start3A_343] : memref<2x512x64xf32, #tpu.memory_space<vmem>> -> memref<1x512x64xf32, #tpu.memory_space<vmem>>
      %dma_start3A_345 = tpu.memref_squeeze %dma_start3A_344 : memref<1x512x64xf32, #tpu.memory_space<vmem>> -> memref<512x64xf32, #tpu.memory_space<vmem>>
      tpu.enqueue_dma source(%dma_start3A_345 : memref<512x64xf32, #tpu.memory_space<vmem>>) target(%dma_start3A_341 : memref<512x64xf32, #tpu.memory_space<hbm>>) target_semaphore(%arg10 : memref<!tpu.dma_semaphore, #tpu.memory_space<semaphore_mem>>)
      %sub3A_346 = arith.constant 2 : i32
      %sub3A_347 = arith.subi %add3A_264, %sub3A_346 : i32
      %mul3A_348 = arith.constant 4 : i32
      %mul3A_349 = arith.muli %sub3A_347, %mul3A_348 : i32
      %mul3A_350 = arith.constant 128 : i32
      %mul3A_351 = arith.muli %mul3A_349, %mul3A_350 : i32
      %add3A_352 = arith.addi %mul3A_2, %mul3A_351 : i32
      %dma_wait3A_353 = arith.constant 0 : i32
      %dma_wait3A_354 = arith.constant 0 : i32
      %dma_wait3A_355 = arith.constant 0 : i32
      %dma_wait3A_356 = tpu.memref_slice %arg6[%dma_wait3A_353, %dma_wait3A_354, %dma_wait3A_355] : memref<2x512x64xf32, #tpu.memory_space<vmem>> -> memref<1x512x64xf32, #tpu.memory_space<vmem>>
      %dma_wait3A_357 = tpu.memref_squeeze %dma_wait3A_356 : memref<1x512x64xf32, #tpu.memory_space<vmem>> -> memref<512x64xf32, #tpu.memory_space<vmem>>
      %dma_wait3A_358 = arith.constant 0 : i32
      %dma_wait3A_359 = tpu.memref_slice %arg4[%add3A_352, %dma_wait3A_358] : memref<819200x64xf32, #tpu.memory_space<hbm>> -> memref<512x64xf32, #tpu.memory_space<hbm>>
      %dma_wait3A_360 = arith.constant 0 : i32
      %dma_wait3A_361 = tpu.memref_slice %arg4[%add3A_352, %dma_wait3A_360] : memref<819200x64xf32, #tpu.memory_space<hbm>> -> memref<512x64xf32, #tpu.memory_space<hbm>>
      %dma_wait3A_362 = arith.constant 0 : i32
      %dma_wait3A_363 = arith.constant 0 : i32
      %dma_wait3A_364 = tpu.memref_slice %arg6[%dma_wait3A_353, %dma_wait3A_362, %dma_wait3A_363] : memref<2x512x64xf32, #tpu.memory_space<vmem>> -> memref<1x512x64xf32, #tpu.memory_space<vmem>>
      %dma_wait3A_365 = tpu.memref_squeeze %dma_wait3A_364 : memref<1x512x64xf32, #tpu.memory_space<vmem>> -> memref<512x64xf32, #tpu.memory_space<vmem>>
      tpu.wait_dma2 semaphore(%arg9 : memref<!tpu.dma_semaphore, #tpu.memory_space<semaphore_mem>>) src(%dma_wait3A_365 : memref<512x64xf32, #tpu.memory_space<vmem>>) dst(%dma_wait3A_361 : memref<512x64xf32, #tpu.memory_space<hbm>>)
      %mul3A_366 = arith.constant 4 : i32
      %mul3A_367 = arith.muli %add3A_264, %mul3A_366 : i32
      %add3A_368 = arith.constant 0 : i32
      %add3A_369 = arith.addi %mul3A_367, %add3A_368 : i32
      %dma_start3A_370 = arith.constant 0 : i32
      %dma_start3A_371 = arith.constant 0 : i32
      %dma_start3A_372 = arith.constant 0 : i32
      %dma_start3A_373 = tpu.memref_slice %arg6[%dma_start3A_370, %dma_start3A_371, %dma_start3A_372] : memref<2x512x64xf32, #tpu.memory_space<vmem>> -> memref<1x128x64xf32, #tpu.memory_space<vmem>>
      %dma_start3A_374 = tpu.memref_squeeze %dma_start3A_373 : memref<1x128x64xf32, #tpu.memory_space<vmem>> -> memref<128x64xf32, #tpu.memory_space<vmem>>
      %dma_start3A_375 = arith.constant 0 : i32
      %dma_start3A_376 = tpu.memref_slice %arg5[%add3A_369, %dma_start3A_375] : memref<200x128xi32, #tpu.memory_space<vmem>> -> memref<1x128xi32, #tpu.memory_space<vmem>>
      %dma_start3A_377 = tpu.memref_squeeze %dma_start3A_376 : memref<1x128xi32, #tpu.memory_space<vmem>> -> memref<128xi32, #tpu.memory_space<vmem>>
      %dma_start3A_378 = arith.constant 0 : i32
      %dma_start3A_379 = arith.constant 0 : i32
      %dma_start3A_380 = tpu.memref_slice %arg2[%dma_start3A_378, %dma_start3A_379] : memref<100000x64xf32, #tpu.memory_space<hbm>> -> memref<100000x64xf32, #tpu.memory_space<hbm>>
      tpu.enqueue_indirect_dma source(%dma_start3A_380 : memref<100000x64xf32, #tpu.memory_space<hbm>>) target(%dma_start3A_374 : memref<128x64xf32, #tpu.memory_space<vmem>>) offsets(%dma_start3A_377 : memref<128xi32, #tpu.memory_space<vmem>>) semaphore(%arg7 : memref<!tpu.dma_semaphore, #tpu.memory_space<semaphore_mem>>)
      %mul3A_381 = arith.constant 4 : i32
      %mul3A_382 = arith.muli %add3A_264, %mul3A_381 : i32
      %add3A_383 = arith.constant 1 : i32
      %add3A_384 = arith.addi %mul3A_382, %add3A_383 : i32
      %dma_start3A_385 = arith.constant 0 : i32
      %dma_start3A_386 = arith.constant 128 : i32
      %dma_start3A_387 = arith.constant 0 : i32
      %dma_start3A_388 = tpu.memref_slice %arg6[%dma_start3A_385, %dma_start3A_386, %dma_start3A_387] : memref<2x512x64xf32, #tpu.memory_space<vmem>> -> memref<1x128x64xf32, #tpu.memory_space<vmem>>
      %dma_start3A_389 = tpu.memref_squeeze %dma_start3A_388 : memref<1x128x64xf32, #tpu.memory_space<vmem>> -> memref<128x64xf32, #tpu.memory_space<vmem>>
      %dma_start3A_390 = arith.constant 0 : i32
      %dma_start3A_391 = tpu.memref_slice %arg5[%add3A_384, %dma_start3A_390] : memref<200x128xi32, #tpu.memory_space<vmem>> -> memref<1x128xi32, #tpu.memory_space<vmem>>
      %dma_start3A_392 = tpu.memref_squeeze %dma_start3A_391 : memref<1x128xi32, #tpu.memory_space<vmem>> -> memref<128xi32, #tpu.memory_space<vmem>>
      %dma_start3A_393 = arith.constant 0 : i32
      %dma_start3A_394 = arith.constant 0 : i32
      %dma_start3A_395 = tpu.memref_slice %arg2[%dma_start3A_393, %dma_start3A_394] : memref<100000x64xf32, #tpu.memory_space<hbm>> -> memref<100000x64xf32, #tpu.memory_space<hbm>>
      tpu.enqueue_indirect_dma source(%dma_start3A_395 : memref<100000x64xf32, #tpu.memory_space<hbm>>) target(%dma_start3A_389 : memref<128x64xf32, #tpu.memory_space<vmem>>) offsets(%dma_start3A_392 : memref<128xi32, #tpu.memory_space<vmem>>) semaphore(%arg7 : memref<!tpu.dma_semaphore, #tpu.memory_space<semaphore_mem>>)
      %mul3A_396 = arith.constant 4 : i32
      %mul3A_397 = arith.muli %add3A_264, %mul3A_396 : i32
      %add3A_398 = arith.constant 2 : i32
      %add3A_399 = arith.addi %mul3A_397, %add3A_398 : i32
      %dma_start3A_400 = arith.constant 0 : i32
      %dma_start3A_401 = arith.constant 256 : i32
      %dma_start3A_402 = arith.constant 0 : i32
      %dma_start3A_403 = tpu.memref_slice %arg6[%dma_start3A_400, %dma_start3A_401, %dma_start3A_402] : memref<2x512x64xf32, #tpu.memory_space<vmem>> -> memref<1x128x64xf32, #tpu.memory_space<vmem>>
      %dma_start3A_404 = tpu.memref_squeeze %dma_start3A_403 : memref<1x128x64xf32, #tpu.memory_space<vmem>> -> memref<128x64xf32, #tpu.memory_space<vmem>>
      %dma_start3A_405 = arith.constant 0 : i32
      %dma_start3A_406 = tpu.memref_slice %arg5[%add3A_399, %dma_start3A_405] : memref<200x128xi32, #tpu.memory_space<vmem>> -> memref<1x128xi32, #tpu.memory_space<vmem>>
      %dma_start3A_407 = tpu.memref_squeeze %dma_start3A_406 : memref<1x128xi32, #tpu.memory_space<vmem>> -> memref<128xi32, #tpu.memory_space<vmem>>
      %dma_start3A_408 = arith.constant 0 : i32
      %dma_start3A_409 = arith.constant 0 : i32
      %dma_start3A_410 = tpu.memref_slice %arg2[%dma_start3A_408, %dma_start3A_409] : memref<100000x64xf32, #tpu.memory_space<hbm>> -> memref<100000x64xf32, #tpu.memory_space<hbm>>
      tpu.enqueue_indirect_dma source(%dma_start3A_410 : memref<100000x64xf32, #tpu.memory_space<hbm>>) target(%dma_start3A_404 : memref<128x64xf32, #tpu.memory_space<vmem>>) offsets(%dma_start3A_407 : memref<128xi32, #tpu.memory_space<vmem>>) semaphore(%arg7 : memref<!tpu.dma_semaphore, #tpu.memory_space<semaphore_mem>>)
      %mul3A_411 = arith.constant 4 : i32
      %mul3A_412 = arith.muli %add3A_264, %mul3A_411 : i32
      %add3A_413 = arith.constant 3 : i32
      %add3A_414 = arith.addi %mul3A_412, %add3A_413 : i32
      %dma_start3A_415 = arith.constant 0 : i32
      %dma_start3A_416 = arith.constant 384 : i32
      %dma_start3A_417 = arith.constant 0 : i32
      %dma_start3A_418 = tpu.memref_slice %arg6[%dma_start3A_415, %dma_start3A_416, %dma_start3A_417] : memref<2x512x64xf32, #tpu.memory_space<vmem>> -> memref<1x128x64xf32, #tpu.memory_space<vmem>>
      %dma_start3A_419 = tpu.memref_squeeze %dma_start3A_418 : memref<1x128x64xf32, #tpu.memory_space<vmem>> -> memref<128x64xf32, #tpu.memory_space<vmem>>
      %dma_start3A_420 = arith.constant 0 : i32
      %dma_start3A_421 = tpu.memref_slice %arg5[%add3A_414, %dma_start3A_420] : memref<200x128xi32, #tpu.memory_space<vmem>> -> memref<1x128xi32, #tpu.memory_space<vmem>>
      %dma_start3A_422 = tpu.memref_squeeze %dma_start3A_421 : memref<1x128xi32, #tpu.memory_space<vmem>> -> memref<128xi32, #tpu.memory_space<vmem>>
      %dma_start3A_423 = arith.constant 0 : i32
      %dma_start3A_424 = arith.constant 0 : i32
      %dma_start3A_425 = tpu.memref_slice %arg2[%dma_start3A_423, %dma_start3A_424] : memref<100000x64xf32, #tpu.memory_space<hbm>> -> memref<100000x64xf32, #tpu.memory_space<hbm>>
      tpu.enqueue_indirect_dma source(%dma_start3A_425 : memref<100000x64xf32, #tpu.memory_space<hbm>>) target(%dma_start3A_419 : memref<128x64xf32, #tpu.memory_space<vmem>>) offsets(%dma_start3A_422 : memref<128xi32, #tpu.memory_space<vmem>>) semaphore(%arg7 : memref<!tpu.dma_semaphore, #tpu.memory_space<semaphore_mem>>)
      %mul3A_426 = arith.constant 4 : i32
      %mul3A_427 = arith.muli %add3A_264, %mul3A_426 : i32
      %add3A_428 = arith.constant 0 : i32
      %add3A_429 = arith.addi %mul3A_427, %add3A_428 : i32
      %dma_wait3A_430 = arith.constant 0 : i32
      %dma_wait3A_431 = arith.constant 0 : i32
      %dma_wait3A_432 = arith.constant 0 : i32
      %dma_wait3A_433 = tpu.memref_slice %arg6[%dma_wait3A_430, %dma_wait3A_431, %dma_wait3A_432] : memref<2x512x64xf32, #tpu.memory_space<vmem>> -> memref<1x128x64xf32, #tpu.memory_space<vmem>>
      %dma_wait3A_434 = tpu.memref_squeeze %dma_wait3A_433 : memref<1x128x64xf32, #tpu.memory_space<vmem>> -> memref<128x64xf32, #tpu.memory_space<vmem>>
      %dma_wait3A_435 = arith.constant 0 : i32
      %dma_wait3A_436 = tpu.memref_slice %arg5[%add3A_429, %dma_wait3A_435] : memref<200x128xi32, #tpu.memory_space<vmem>> -> memref<1x128xi32, #tpu.memory_space<vmem>>
      %dma_wait3A_437 = tpu.memref_squeeze %dma_wait3A_436 : memref<1x128xi32, #tpu.memory_space<vmem>> -> memref<128xi32, #tpu.memory_space<vmem>>
      %dma_wait3A_438 = arith.constant 0 : i32
      %dma_wait3A_439 = arith.constant 0 : i32
      %dma_wait3A_440 = tpu.memref_slice %arg2[%dma_wait3A_438, %dma_wait3A_439] : memref<100000x64xf32, #tpu.memory_space<hbm>> -> memref<100000x64xf32, #tpu.memory_space<hbm>>
      tpu.wait_indirect_dma semaphore(%arg7 : memref<!tpu.dma_semaphore, #tpu.memory_space<semaphore_mem>>) src(%dma_wait3A_440 : memref<100000x64xf32, #tpu.memory_space<hbm>>) dst(%dma_wait3A_434 : memref<128x64xf32, #tpu.memory_space<vmem>>)
      %mul3A_441 = arith.constant 4 : i32
      %mul3A_442 = arith.muli %add3A_264, %mul3A_441 : i32
      %add3A_443 = arith.constant 1 : i32
      %add3A_444 = arith.addi %mul3A_442, %add3A_443 : i32
      %dma_wait3A_445 = arith.constant 0 : i32
      %dma_wait3A_446 = arith.constant 128 : i32
      %dma_wait3A_447 = arith.constant 0 : i32
      %dma_wait3A_448 = tpu.memref_slice %arg6[%dma_wait3A_445, %dma_wait3A_446, %dma_wait3A_447] : memref<2x512x64xf32, #tpu.memory_space<vmem>> -> memref<1x128x64xf32, #tpu.memory_space<vmem>>
      %dma_wait3A_449 = tpu.memref_squeeze %dma_wait3A_448 : memref<1x128x64xf32, #tpu.memory_space<vmem>> -> memref<128x64xf32, #tpu.memory_space<vmem>>
      %dma_wait3A_450 = arith.constant 0 : i32
      %dma_wait3A_451 = tpu.memref_slice %arg5[%add3A_444, %dma_wait3A_450] : memref<200x128xi32, #tpu.memory_space<vmem>> -> memref<1x128xi32, #tpu.memory_space<vmem>>
      %dma_wait3A_452 = tpu.memref_squeeze %dma_wait3A_451 : memref<1x128xi32, #tpu.memory_space<vmem>> -> memref<128xi32, #tpu.memory_space<vmem>>
      %dma_wait3A_453 = arith.constant 0 : i32
      %dma_wait3A_454 = arith.constant 0 : i32
      %dma_wait3A_455 = tpu.memref_slice %arg2[%dma_wait3A_453, %dma_wait3A_454] : memref<100000x64xf32, #tpu.memory_space<hbm>> -> memref<100000x64xf32, #tpu.memory_space<hbm>>
      tpu.wait_indirect_dma semaphore(%arg7 : memref<!tpu.dma_semaphore, #tpu.memory_space<semaphore_mem>>) src(%dma_wait3A_455 : memref<100000x64xf32, #tpu.memory_space<hbm>>) dst(%dma_wait3A_449 : memref<128x64xf32, #tpu.memory_space<vmem>>)
      %mul3A_456 = arith.constant 4 : i32
      %mul3A_457 = arith.muli %add3A_264, %mul3A_456 : i32
      %add3A_458 = arith.constant 2 : i32
      %add3A_459 = arith.addi %mul3A_457, %add3A_458 : i32
      %dma_wait3A_460 = arith.constant 0 : i32
      %dma_wait3A_461 = arith.constant 256 : i32
      %dma_wait3A_462 = arith.constant 0 : i32
      %dma_wait3A_463 = tpu.memref_slice %arg6[%dma_wait3A_460, %dma_wait3A_461, %dma_wait3A_462] : memref<2x512x64xf32, #tpu.memory_space<vmem>> -> memref<1x128x64xf32, #tpu.memory_space<vmem>>
      %dma_wait3A_464 = tpu.memref_squeeze %dma_wait3A_463 : memref<1x128x64xf32, #tpu.memory_space<vmem>> -> memref<128x64xf32, #tpu.memory_space<vmem>>
      %dma_wait3A_465 = arith.constant 0 : i32
      %dma_wait3A_466 = tpu.memref_slice %arg5[%add3A_459, %dma_wait3A_465] : memref<200x128xi32, #tpu.memory_space<vmem>> -> memref<1x128xi32, #tpu.memory_space<vmem>>
      %dma_wait3A_467 = tpu.memref_squeeze %dma_wait3A_466 : memref<1x128xi32, #tpu.memory_space<vmem>> -> memref<128xi32, #tpu.memory_space<vmem>>
      %dma_wait3A_468 = arith.constant 0 : i32
      %dma_wait3A_469 = arith.constant 0 : i32
      %dma_wait3A_470 = tpu.memref_slice %arg2[%dma_wait3A_468, %dma_wait3A_469] : memref<100000x64xf32, #tpu.memory_space<hbm>> -> memref<100000x64xf32, #tpu.memory_space<hbm>>
      tpu.wait_indirect_dma semaphore(%arg7 : memref<!tpu.dma_semaphore, #tpu.memory_space<semaphore_mem>>) src(%dma_wait3A_470 : memref<100000x64xf32, #tpu.memory_space<hbm>>) dst(%dma_wait3A_464 : memref<128x64xf32, #tpu.memory_space<vmem>>)
      %mul3A_471 = arith.constant 4 : i32
      %mul3A_472 = arith.muli %add3A_264, %mul3A_471 : i32
      %add3A_473 = arith.constant 3 : i32
      %add3A_474 = arith.addi %mul3A_472, %add3A_473 : i32
      %dma_wait3A_475 = arith.constant 0 : i32
      %dma_wait3A_476 = arith.constant 384 : i32
      %dma_wait3A_477 = arith.constant 0 : i32
      %dma_wait3A_478 = tpu.memref_slice %arg6[%dma_wait3A_475, %dma_wait3A_476, %dma_wait3A_477] : memref<2x512x64xf32, #tpu.memory_space<vmem>> -> memref<1x128x64xf32, #tpu.memory_space<vmem>>
      %dma_wait3A_479 = tpu.memref_squeeze %dma_wait3A_478 : memref<1x128x64xf32, #tpu.memory_space<vmem>> -> memref<128x64xf32, #tpu.memory_space<vmem>>
      %dma_wait3A_480 = arith.constant 0 : i32
      %dma_wait3A_481 = tpu.memref_slice %arg5[%add3A_474, %dma_wait3A_480] : memref<200x128xi32, #tpu.memory_space<vmem>> -> memref<1x128xi32, #tpu.memory_space<vmem>>
      %dma_wait3A_482 = tpu.memref_squeeze %dma_wait3A_481 : memref<1x128xi32, #tpu.memory_space<vmem>> -> memref<128xi32, #tpu.memory_space<vmem>>
      %dma_wait3A_483 = arith.constant 0 : i32
      %dma_wait3A_484 = arith.constant 0 : i32
      %dma_wait3A_485 = tpu.memref_slice %arg2[%dma_wait3A_483, %dma_wait3A_484] : memref<100000x64xf32, #tpu.memory_space<hbm>> -> memref<100000x64xf32, #tpu.memory_space<hbm>>
      tpu.wait_indirect_dma semaphore(%arg7 : memref<!tpu.dma_semaphore, #tpu.memory_space<semaphore_mem>>) src(%dma_wait3A_485 : memref<100000x64xf32, #tpu.memory_space<hbm>>) dst(%dma_wait3A_479 : memref<128x64xf32, #tpu.memory_space<vmem>>)
      %mul3A_486 = arith.constant 4 : i32
      %mul3A_487 = arith.muli %add3A_264, %mul3A_486 : i32
      %mul3A_488 = arith.constant 128 : i32
      %mul3A_489 = arith.muli %mul3A_487, %mul3A_488 : i32
      %add3A_490 = arith.addi %mul3A_2, %mul3A_489 : i32
      %dma_start3A_491 = arith.constant 0 : i32
      %dma_start3A_492 = arith.constant 0 : i32
      %dma_start3A_493 = arith.constant 0 : i32
      %dma_start3A_494 = tpu.memref_slice %arg6[%dma_start3A_491, %dma_start3A_492, %dma_start3A_493] : memref<2x512x64xf32, #tpu.memory_space<vmem>> -> memref<1x512x64xf32, #tpu.memory_space<vmem>>
      %dma_start3A_495 = tpu.memref_squeeze %dma_start3A_494 : memref<1x512x64xf32, #tpu.memory_space<vmem>> -> memref<512x64xf32, #tpu.memory_space<vmem>>
      %dma_start3A_496 = arith.constant 0 : i32
      %dma_start3A_497 = tpu.memref_slice %arg4[%add3A_490, %dma_start3A_496] : memref<819200x64xf32, #tpu.memory_space<hbm>> -> memref<512x64xf32, #tpu.memory_space<hbm>>
      %dma_start3A_498 = arith.constant 0 : i32
      %dma_start3A_499 = tpu.memref_slice %arg4[%add3A_490, %dma_start3A_498] : memref<819200x64xf32, #tpu.memory_space<hbm>> -> memref<512x64xf32, #tpu.memory_space<hbm>>
      %dma_start3A_500 = arith.constant 0 : i32
      %dma_start3A_501 = arith.constant 0 : i32
      %dma_start3A_502 = tpu.memref_slice %arg6[%dma_start3A_491, %dma_start3A_500, %dma_start3A_501] : memref<2x512x64xf32, #tpu.memory_space<vmem>> -> memref<1x512x64xf32, #tpu.memory_space<vmem>>
      %dma_start3A_503 = tpu.memref_squeeze %dma_start3A_502 : memref<1x512x64xf32, #tpu.memory_space<vmem>> -> memref<512x64xf32, #tpu.memory_space<vmem>>
      tpu.enqueue_dma source(%dma_start3A_503 : memref<512x64xf32, #tpu.memory_space<vmem>>) target(%dma_start3A_499 : memref<512x64xf32, #tpu.memory_space<hbm>>) target_semaphore(%arg9 : memref<!tpu.dma_semaphore, #tpu.memory_space<semaphore_mem>>)
      %sub3A_504 = arith.constant 1 : i32
      %sub3A_505 = arith.subi %add3A_264, %sub3A_504 : i32
      %mul3A_506 = arith.constant 4 : i32
      %mul3A_507 = arith.muli %sub3A_505, %mul3A_506 : i32
      %mul3A_508 = arith.constant 128 : i32
      %mul3A_509 = arith.muli %mul3A_507, %mul3A_508 : i32
      %add3A_510 = arith.addi %mul3A_2, %mul3A_509 : i32
      %dma_wait3A_511 = arith.constant 1 : i32
      %dma_wait3A_512 = arith.constant 0 : i32
      %dma_wait3A_513 = arith.constant 0 : i32
      %dma_wait3A_514 = tpu.memref_slice %arg6[%dma_wait3A_511, %dma_wait3A_512, %dma_wait3A_513] : memref<2x512x64xf32, #tpu.memory_space<vmem>> -> memref<1x512x64xf32, #tpu.memory_space<vmem>>
      %dma_wait3A_515 = tpu.memref_squeeze %dma_wait3A_514 : memref<1x512x64xf32, #tpu.memory_space<vmem>> -> memref<512x64xf32, #tpu.memory_space<vmem>>
      %dma_wait3A_516 = arith.constant 0 : i32
      %dma_wait3A_517 = tpu.memref_slice %arg4[%add3A_510, %dma_wait3A_516] : memref<819200x64xf32, #tpu.memory_space<hbm>> -> memref<512x64xf32, #tpu.memory_space<hbm>>
      %dma_wait3A_518 = arith.constant 0 : i32
      %dma_wait3A_519 = tpu.memref_slice %arg4[%add3A_510, %dma_wait3A_518] : memref<819200x64xf32, #tpu.memory_space<hbm>> -> memref<512x64xf32, #tpu.memory_space<hbm>>
      %dma_wait3A_520 = arith.constant 0 : i32
      %dma_wait3A_521 = arith.constant 0 : i32
      %dma_wait3A_522 = tpu.memref_slice %arg6[%dma_wait3A_511, %dma_wait3A_520, %dma_wait3A_521] : memref<2x512x64xf32, #tpu.memory_space<vmem>> -> memref<1x512x64xf32, #tpu.memory_space<vmem>>
      %dma_wait3A_523 = tpu.memref_squeeze %dma_wait3A_522 : memref<1x512x64xf32, #tpu.memory_space<vmem>> -> memref<512x64xf32, #tpu.memory_space<vmem>>
      tpu.wait_dma2 semaphore(%arg10 : memref<!tpu.dma_semaphore, #tpu.memory_space<semaphore_mem>>) src(%dma_wait3A_523 : memref<512x64xf32, #tpu.memory_space<vmem>>) dst(%dma_wait3A_519 : memref<512x64xf32, #tpu.memory_space<hbm>>)
      %add3A_524 = arith.constant 1 : i32
      %add3A_525 = arith.addi %add3A_264, %add3A_524 : i32
      %mul3A_526 = arith.constant 4 : i32
      %mul3A_527 = arith.muli %add3A_525, %mul3A_526 : i32
      %add3A_528 = arith.constant 0 : i32
      %add3A_529 = arith.addi %mul3A_527, %add3A_528 : i32
      %dma_start3A_530 = arith.constant 1 : i32
      %dma_start3A_531 = arith.constant 0 : i32
      %dma_start3A_532 = arith.constant 0 : i32
      %dma_start3A_533 = tpu.memref_slice %arg6[%dma_start3A_530, %dma_start3A_531, %dma_start3A_532] : memref<2x512x64xf32, #tpu.memory_space<vmem>> -> memref<1x128x64xf32, #tpu.memory_space<vmem>>
      %dma_start3A_534 = tpu.memref_squeeze %dma_start3A_533 : memref<1x128x64xf32, #tpu.memory_space<vmem>> -> memref<128x64xf32, #tpu.memory_space<vmem>>
      %dma_start3A_535 = arith.constant 0 : i32
      %dma_start3A_536 = tpu.memref_slice %arg5[%add3A_529, %dma_start3A_535] : memref<200x128xi32, #tpu.memory_space<vmem>> -> memref<1x128xi32, #tpu.memory_space<vmem>>
      %dma_start3A_537 = tpu.memref_squeeze %dma_start3A_536 : memref<1x128xi32, #tpu.memory_space<vmem>> -> memref<128xi32, #tpu.memory_space<vmem>>
      %dma_start3A_538 = arith.constant 0 : i32
      %dma_start3A_539 = arith.constant 0 : i32
      %dma_start3A_540 = tpu.memref_slice %arg2[%dma_start3A_538, %dma_start3A_539] : memref<100000x64xf32, #tpu.memory_space<hbm>> -> memref<100000x64xf32, #tpu.memory_space<hbm>>
      tpu.enqueue_indirect_dma source(%dma_start3A_540 : memref<100000x64xf32, #tpu.memory_space<hbm>>) target(%dma_start3A_534 : memref<128x64xf32, #tpu.memory_space<vmem>>) offsets(%dma_start3A_537 : memref<128xi32, #tpu.memory_space<vmem>>) semaphore(%arg8 : memref<!tpu.dma_semaphore, #tpu.memory_space<semaphore_mem>>)
      %mul3A_541 = arith.constant 4 : i32
      %mul3A_542 = arith.muli %add3A_525, %mul3A_541 : i32
      %add3A_543 = arith.constant 1 : i32
      %add3A_544 = arith.addi %mul3A_542, %add3A_543 : i32
      %dma_start3A_545 = arith.constant 1 : i32
      %dma_start3A_546 = arith.constant 128 : i32
      %dma_start3A_547 = arith.constant 0 : i32
      %dma_start3A_548 = tpu.memref_slice %arg6[%dma_start3A_545, %dma_start3A_546, %dma_start3A_547] : memref<2x512x64xf32, #tpu.memory_space<vmem>> -> memref<1x128x64xf32, #tpu.memory_space<vmem>>
      %dma_start3A_549 = tpu.memref_squeeze %dma_start3A_548 : memref<1x128x64xf32, #tpu.memory_space<vmem>> -> memref<128x64xf32, #tpu.memory_space<vmem>>
      %dma_start3A_550 = arith.constant 0 : i32
      %dma_start3A_551 = tpu.memref_slice %arg5[%add3A_544, %dma_start3A_550] : memref<200x128xi32, #tpu.memory_space<vmem>> -> memref<1x128xi32, #tpu.memory_space<vmem>>
      %dma_start3A_552 = tpu.memref_squeeze %dma_start3A_551 : memref<1x128xi32, #tpu.memory_space<vmem>> -> memref<128xi32, #tpu.memory_space<vmem>>
      %dma_start3A_553 = arith.constant 0 : i32
      %dma_start3A_554 = arith.constant 0 : i32
      %dma_start3A_555 = tpu.memref_slice %arg2[%dma_start3A_553, %dma_start3A_554] : memref<100000x64xf32, #tpu.memory_space<hbm>> -> memref<100000x64xf32, #tpu.memory_space<hbm>>
      tpu.enqueue_indirect_dma source(%dma_start3A_555 : memref<100000x64xf32, #tpu.memory_space<hbm>>) target(%dma_start3A_549 : memref<128x64xf32, #tpu.memory_space<vmem>>) offsets(%dma_start3A_552 : memref<128xi32, #tpu.memory_space<vmem>>) semaphore(%arg8 : memref<!tpu.dma_semaphore, #tpu.memory_space<semaphore_mem>>)
      %mul3A_556 = arith.constant 4 : i32
      %mul3A_557 = arith.muli %add3A_525, %mul3A_556 : i32
      %add3A_558 = arith.constant 2 : i32
      %add3A_559 = arith.addi %mul3A_557, %add3A_558 : i32
      %dma_start3A_560 = arith.constant 1 : i32
      %dma_start3A_561 = arith.constant 256 : i32
      %dma_start3A_562 = arith.constant 0 : i32
      %dma_start3A_563 = tpu.memref_slice %arg6[%dma_start3A_560, %dma_start3A_561, %dma_start3A_562] : memref<2x512x64xf32, #tpu.memory_space<vmem>> -> memref<1x128x64xf32, #tpu.memory_space<vmem>>
      %dma_start3A_564 = tpu.memref_squeeze %dma_start3A_563 : memref<1x128x64xf32, #tpu.memory_space<vmem>> -> memref<128x64xf32, #tpu.memory_space<vmem>>
      %dma_start3A_565 = arith.constant 0 : i32
      %dma_start3A_566 = tpu.memref_slice %arg5[%add3A_559, %dma_start3A_565] : memref<200x128xi32, #tpu.memory_space<vmem>> -> memref<1x128xi32, #tpu.memory_space<vmem>>
      %dma_start3A_567 = tpu.memref_squeeze %dma_start3A_566 : memref<1x128xi32, #tpu.memory_space<vmem>> -> memref<128xi32, #tpu.memory_space<vmem>>
      %dma_start3A_568 = arith.constant 0 : i32
      %dma_start3A_569 = arith.constant 0 : i32
      %dma_start3A_570 = tpu.memref_slice %arg2[%dma_start3A_568, %dma_start3A_569] : memref<100000x64xf32, #tpu.memory_space<hbm>> -> memref<100000x64xf32, #tpu.memory_space<hbm>>
      tpu.enqueue_indirect_dma source(%dma_start3A_570 : memref<100000x64xf32, #tpu.memory_space<hbm>>) target(%dma_start3A_564 : memref<128x64xf32, #tpu.memory_space<vmem>>) offsets(%dma_start3A_567 : memref<128xi32, #tpu.memory_space<vmem>>) semaphore(%arg8 : memref<!tpu.dma_semaphore, #tpu.memory_space<semaphore_mem>>)
      %mul3A_571 = arith.constant 4 : i32
      %mul3A_572 = arith.muli %add3A_525, %mul3A_571 : i32
      %add3A_573 = arith.constant 3 : i32
      %add3A_574 = arith.addi %mul3A_572, %add3A_573 : i32
      %dma_start3A_575 = arith.constant 1 : i32
      %dma_start3A_576 = arith.constant 384 : i32
      %dma_start3A_577 = arith.constant 0 : i32
      %dma_start3A_578 = tpu.memref_slice %arg6[%dma_start3A_575, %dma_start3A_576, %dma_start3A_577] : memref<2x512x64xf32, #tpu.memory_space<vmem>> -> memref<1x128x64xf32, #tpu.memory_space<vmem>>
      %dma_start3A_579 = tpu.memref_squeeze %dma_start3A_578 : memref<1x128x64xf32, #tpu.memory_space<vmem>> -> memref<128x64xf32, #tpu.memory_space<vmem>>
      %dma_start3A_580 = arith.constant 0 : i32
      %dma_start3A_581 = tpu.memref_slice %arg5[%add3A_574, %dma_start3A_580] : memref<200x128xi32, #tpu.memory_space<vmem>> -> memref<1x128xi32, #tpu.memory_space<vmem>>
      %dma_start3A_582 = tpu.memref_squeeze %dma_start3A_581 : memref<1x128xi32, #tpu.memory_space<vmem>> -> memref<128xi32, #tpu.memory_space<vmem>>
      %dma_start3A_583 = arith.constant 0 : i32
      %dma_start3A_584 = arith.constant 0 : i32
      %dma_start3A_585 = tpu.memref_slice %arg2[%dma_start3A_583, %dma_start3A_584] : memref<100000x64xf32, #tpu.memory_space<hbm>> -> memref<100000x64xf32, #tpu.memory_space<hbm>>
      tpu.enqueue_indirect_dma source(%dma_start3A_585 : memref<100000x64xf32, #tpu.memory_space<hbm>>) target(%dma_start3A_579 : memref<128x64xf32, #tpu.memory_space<vmem>>) offsets(%dma_start3A_582 : memref<128xi32, #tpu.memory_space<vmem>>) semaphore(%arg8 : memref<!tpu.dma_semaphore, #tpu.memory_space<semaphore_mem>>)
      %scan3A_586 = arith.constant 0 : i32
      scf.yield %scan3A_586 : i32
    }
    %scan3A_165 = arith.constant 24 : i32
    %dma_wait3A_166 = arith.constant 196 : i32
    %dma_wait3A_167 = arith.constant 1 : i32
    %dma_wait3A_168 = arith.constant 0 : i32
    %dma_wait3A_169 = arith.constant 0 : i32
    %dma_wait3A_170 = tpu.memref_slice %arg6[%dma_wait3A_167, %dma_wait3A_168, %dma_wait3A_169] : memref<2x512x64xf32, #tpu.memory_space<vmem>> -> memref<1x128x64xf32, #tpu.memory_space<vmem>>
    %dma_wait3A_171 = tpu.memref_squeeze %dma_wait3A_170 : memref<1x128x64xf32, #tpu.memory_space<vmem>> -> memref<128x64xf32, #tpu.memory_space<vmem>>
    %dma_wait3A_172 = arith.constant 0 : i32
    %dma_wait3A_173 = tpu.memref_slice %arg5[%dma_wait3A_166, %dma_wait3A_172] : memref<200x128xi32, #tpu.memory_space<vmem>> -> memref<1x128xi32, #tpu.memory_space<vmem>>
    %dma_wait3A_174 = tpu.memref_squeeze %dma_wait3A_173 : memref<1x128xi32, #tpu.memory_space<vmem>> -> memref<128xi32, #tpu.memory_space<vmem>>
    %dma_wait3A_175 = arith.constant 0 : i32
    %dma_wait3A_176 = arith.constant 0 : i32
    %dma_wait3A_177 = tpu.memref_slice %arg2[%dma_wait3A_175, %dma_wait3A_176] : memref<100000x64xf32, #tpu.memory_space<hbm>> -> memref<100000x64xf32, #tpu.memory_space<hbm>>
    tpu.wait_indirect_dma semaphore(%arg8 : memref<!tpu.dma_semaphore, #tpu.memory_space<semaphore_mem>>) src(%dma_wait3A_177 : memref<100000x64xf32, #tpu.memory_space<hbm>>) dst(%dma_wait3A_171 : memref<128x64xf32, #tpu.memory_space<vmem>>)
    %dma_wait3A_178 = arith.constant 197 : i32
    %dma_wait3A_179 = arith.constant 1 : i32
    %dma_wait3A_180 = arith.constant 128 : i32
    %dma_wait3A_181 = arith.constant 0 : i32
    %dma_wait3A_182 = tpu.memref_slice %arg6[%dma_wait3A_179, %dma_wait3A_180, %dma_wait3A_181] : memref<2x512x64xf32, #tpu.memory_space<vmem>> -> memref<1x128x64xf32, #tpu.memory_space<vmem>>
    %dma_wait3A_183 = tpu.memref_squeeze %dma_wait3A_182 : memref<1x128x64xf32, #tpu.memory_space<vmem>> -> memref<128x64xf32, #tpu.memory_space<vmem>>
    %dma_wait3A_184 = arith.constant 0 : i32
    %dma_wait3A_185 = tpu.memref_slice %arg5[%dma_wait3A_178, %dma_wait3A_184] : memref<200x128xi32, #tpu.memory_space<vmem>> -> memref<1x128xi32, #tpu.memory_space<vmem>>
    %dma_wait3A_186 = tpu.memref_squeeze %dma_wait3A_185 : memref<1x128xi32, #tpu.memory_space<vmem>> -> memref<128xi32, #tpu.memory_space<vmem>>
    %dma_wait3A_187 = arith.constant 0 : i32
    %dma_wait3A_188 = arith.constant 0 : i32
    %dma_wait3A_189 = tpu.memref_slice %arg2[%dma_wait3A_187, %dma_wait3A_188] : memref<100000x64xf32, #tpu.memory_space<hbm>> -> memref<100000x64xf32, #tpu.memory_space<hbm>>
    tpu.wait_indirect_dma semaphore(%arg8 : memref<!tpu.dma_semaphore, #tpu.memory_space<semaphore_mem>>) src(%dma_wait3A_189 : memref<100000x64xf32, #tpu.memory_space<hbm>>) dst(%dma_wait3A_183 : memref<128x64xf32, #tpu.memory_space<vmem>>)
    %dma_wait3A_190 = arith.constant 198 : i32
    %dma_wait3A_191 = arith.constant 1 : i32
    %dma_wait3A_192 = arith.constant 256 : i32
    %dma_wait3A_193 = arith.constant 0 : i32
    %dma_wait3A_194 = tpu.memref_slice %arg6[%dma_wait3A_191, %dma_wait3A_192, %dma_wait3A_193] : memref<2x512x64xf32, #tpu.memory_space<vmem>> -> memref<1x128x64xf32, #tpu.memory_space<vmem>>
    %dma_wait3A_195 = tpu.memref_squeeze %dma_wait3A_194 : memref<1x128x64xf32, #tpu.memory_space<vmem>> -> memref<128x64xf32, #tpu.memory_space<vmem>>
    %dma_wait3A_196 = arith.constant 0 : i32
    %dma_wait3A_197 = tpu.memref_slice %arg5[%dma_wait3A_190, %dma_wait3A_196] : memref<200x128xi32, #tpu.memory_space<vmem>> -> memref<1x128xi32, #tpu.memory_space<vmem>>
    %dma_wait3A_198 = tpu.memref_squeeze %dma_wait3A_197 : memref<1x128xi32, #tpu.memory_space<vmem>> -> memref<128xi32, #tpu.memory_space<vmem>>
    %dma_wait3A_199 = arith.constant 0 : i32
    %dma_wait3A_200 = arith.constant 0 : i32
    %dma_wait3A_201 = tpu.memref_slice %arg2[%dma_wait3A_199, %dma_wait3A_200] : memref<100000x64xf32, #tpu.memory_space<hbm>> -> memref<100000x64xf32, #tpu.memory_space<hbm>>
    tpu.wait_indirect_dma semaphore(%arg8 : memref<!tpu.dma_semaphore, #tpu.memory_space<semaphore_mem>>) src(%dma_wait3A_201 : memref<100000x64xf32, #tpu.memory_space<hbm>>) dst(%dma_wait3A_195 : memref<128x64xf32, #tpu.memory_space<vmem>>)
    %dma_wait3A_202 = arith.constant 199 : i32
    %dma_wait3A_203 = arith.constant 1 : i32
    %dma_wait3A_204 = arith.constant 384 : i32
    %dma_wait3A_205 = arith.constant 0 : i32
    %dma_wait3A_206 = tpu.memref_slice %arg6[%dma_wait3A_203, %dma_wait3A_204, %dma_wait3A_205] : memref<2x512x64xf32, #tpu.memory_space<vmem>> -> memref<1x128x64xf32, #tpu.memory_space<vmem>>
    %dma_wait3A_207 = tpu.memref_squeeze %dma_wait3A_206 : memref<1x128x64xf32, #tpu.memory_space<vmem>> -> memref<128x64xf32, #tpu.memory_space<vmem>>
    %dma_wait3A_208 = arith.constant 0 : i32
    %dma_wait3A_209 = tpu.memref_slice %arg5[%dma_wait3A_202, %dma_wait3A_208] : memref<200x128xi32, #tpu.memory_space<vmem>> -> memref<1x128xi32, #tpu.memory_space<vmem>>
    %dma_wait3A_210 = tpu.memref_squeeze %dma_wait3A_209 : memref<1x128xi32, #tpu.memory_space<vmem>> -> memref<128xi32, #tpu.memory_space<vmem>>
    %dma_wait3A_211 = arith.constant 0 : i32
    %dma_wait3A_212 = arith.constant 0 : i32
    %dma_wait3A_213 = tpu.memref_slice %arg2[%dma_wait3A_211, %dma_wait3A_212] : memref<100000x64xf32, #tpu.memory_space<hbm>> -> memref<100000x64xf32, #tpu.memory_space<hbm>>
    tpu.wait_indirect_dma semaphore(%arg8 : memref<!tpu.dma_semaphore, #tpu.memory_space<semaphore_mem>>) src(%dma_wait3A_213 : memref<100000x64xf32, #tpu.memory_space<hbm>>) dst(%dma_wait3A_207 : memref<128x64xf32, #tpu.memory_space<vmem>>)
    %add3A_214 = arith.constant 25088 : i32
    %add3A_215 = arith.addi %mul3A_2, %add3A_214 : i32
    %dma_start3A_216 = arith.constant 1 : i32
    %dma_start3A_217 = arith.constant 0 : i32
    %dma_start3A_218 = arith.constant 0 : i32
    %dma_start3A_219 = tpu.memref_slice %arg6[%dma_start3A_216, %dma_start3A_217, %dma_start3A_218] : memref<2x512x64xf32, #tpu.memory_space<vmem>> -> memref<1x512x64xf32, #tpu.memory_space<vmem>>
    %dma_start3A_220 = tpu.memref_squeeze %dma_start3A_219 : memref<1x512x64xf32, #tpu.memory_space<vmem>> -> memref<512x64xf32, #tpu.memory_space<vmem>>
    %dma_start3A_221 = arith.constant 0 : i32
    %dma_start3A_222 = tpu.memref_slice %arg4[%add3A_215, %dma_start3A_221] : memref<819200x64xf32, #tpu.memory_space<hbm>> -> memref<512x64xf32, #tpu.memory_space<hbm>>
    %dma_start3A_223 = arith.constant 0 : i32
    %dma_start3A_224 = tpu.memref_slice %arg4[%add3A_215, %dma_start3A_223] : memref<819200x64xf32, #tpu.memory_space<hbm>> -> memref<512x64xf32, #tpu.memory_space<hbm>>
    %dma_start3A_225 = arith.constant 0 : i32
    %dma_start3A_226 = arith.constant 0 : i32
    %dma_start3A_227 = tpu.memref_slice %arg6[%dma_start3A_216, %dma_start3A_225, %dma_start3A_226] : memref<2x512x64xf32, #tpu.memory_space<vmem>> -> memref<1x512x64xf32, #tpu.memory_space<vmem>>
    %dma_start3A_228 = tpu.memref_squeeze %dma_start3A_227 : memref<1x512x64xf32, #tpu.memory_space<vmem>> -> memref<512x64xf32, #tpu.memory_space<vmem>>
    tpu.enqueue_dma source(%dma_start3A_228 : memref<512x64xf32, #tpu.memory_space<vmem>>) target(%dma_start3A_224 : memref<512x64xf32, #tpu.memory_space<hbm>>) target_semaphore(%arg10 : memref<!tpu.dma_semaphore, #tpu.memory_space<semaphore_mem>>)
    %add3A_229 = arith.constant 24576 : i32
    %add3A_230 = arith.addi %mul3A_2, %add3A_229 : i32
    %dma_wait3A_231 = arith.constant 0 : i32
    %dma_wait3A_232 = arith.constant 0 : i32
    %dma_wait3A_233 = arith.constant 0 : i32
    %dma_wait3A_234 = tpu.memref_slice %arg6[%dma_wait3A_231, %dma_wait3A_232, %dma_wait3A_233] : memref<2x512x64xf32, #tpu.memory_space<vmem>> -> memref<1x512x64xf32, #tpu.memory_space<vmem>>
    %dma_wait3A_235 = tpu.memref_squeeze %dma_wait3A_234 : memref<1x512x64xf32, #tpu.memory_space<vmem>> -> memref<512x64xf32, #tpu.memory_space<vmem>>
    %dma_wait3A_236 = arith.constant 0 : i32
    %dma_wait3A_237 = tpu.memref_slice %arg4[%add3A_230, %dma_wait3A_236] : memref<819200x64xf32, #tpu.memory_space<hbm>> -> memref<512x64xf32, #tpu.memory_space<hbm>>
    %dma_wait3A_238 = arith.constant 0 : i32
    %dma_wait3A_239 = tpu.memref_slice %arg4[%add3A_230, %dma_wait3A_238] : memref<819200x64xf32, #tpu.memory_space<hbm>> -> memref<512x64xf32, #tpu.memory_space<hbm>>
    %dma_wait3A_240 = arith.constant 0 : i32
    %dma_wait3A_241 = arith.constant 0 : i32
    %dma_wait3A_242 = tpu.memref_slice %arg6[%dma_wait3A_231, %dma_wait3A_240, %dma_wait3A_241] : memref<2x512x64xf32, #tpu.memory_space<vmem>> -> memref<1x512x64xf32, #tpu.memory_space<vmem>>
    %dma_wait3A_243 = tpu.memref_squeeze %dma_wait3A_242 : memref<1x512x64xf32, #tpu.memory_space<vmem>> -> memref<512x64xf32, #tpu.memory_space<vmem>>
    tpu.wait_dma2 semaphore(%arg9 : memref<!tpu.dma_semaphore, #tpu.memory_space<semaphore_mem>>) src(%dma_wait3A_243 : memref<512x64xf32, #tpu.memory_space<vmem>>) dst(%dma_wait3A_239 : memref<512x64xf32, #tpu.memory_space<hbm>>)
    %add3A_244 = arith.constant 25088 : i32
    %add3A_245 = arith.addi %mul3A_2, %add3A_244 : i32
    %dma_wait3A_246 = arith.constant 1 : i32
    %dma_wait3A_247 = arith.constant 0 : i32
    %dma_wait3A_248 = arith.constant 0 : i32
    %dma_wait3A_249 = tpu.memref_slice %arg6[%dma_wait3A_246, %dma_wait3A_247, %dma_wait3A_248] : memref<2x512x64xf32, #tpu.memory_space<vmem>> -> memref<1x512x64xf32, #tpu.memory_space<vmem>>
    %dma_wait3A_250 = tpu.memref_squeeze %dma_wait3A_249 : memref<1x512x64xf32, #tpu.memory_space<vmem>> -> memref<512x64xf32, #tpu.memory_space<vmem>>
    %dma_wait3A_251 = arith.constant 0 : i32
    %dma_wait3A_252 = tpu.memref_slice %arg4[%add3A_245, %dma_wait3A_251] : memref<819200x64xf32, #tpu.memory_space<hbm>> -> memref<512x64xf32, #tpu.memory_space<hbm>>
    %dma_wait3A_253 = arith.constant 0 : i32
    %dma_wait3A_254 = tpu.memref_slice %arg4[%add3A_245, %dma_wait3A_253] : memref<819200x64xf32, #tpu.memory_space<hbm>> -> memref<512x64xf32, #tpu.memory_space<hbm>>
    %dma_wait3A_255 = arith.constant 0 : i32
    %dma_wait3A_256 = arith.constant 0 : i32
    %dma_wait3A_257 = tpu.memref_slice %arg6[%dma_wait3A_246, %dma_wait3A_255, %dma_wait3A_256] : memref<2x512x64xf32, #tpu.memory_space<vmem>> -> memref<1x512x64xf32, #tpu.memory_space<vmem>>
    %dma_wait3A_258 = tpu.memref_squeeze %dma_wait3A_257 : memref<1x512x64xf32, #tpu.memory_space<vmem>> -> memref<512x64xf32, #tpu.memory_space<vmem>>
    tpu.wait_dma2 semaphore(%arg10 : memref<!tpu.dma_semaphore, #tpu.memory_space<semaphore_mem>>) src(%dma_wait3A_258 : memref<512x64xf32, #tpu.memory_space<vmem>>) dst(%dma_wait3A_254 : memref<512x64xf32, #tpu.memory_space<hbm>>)
    return
  }
}

#map = affine_map<(d0, d1) -> (0, 0)>
#map1 = affine_map<(d0, d1) -> (0, 0, 0)>
module attributes {stable_mosaic.version = 14 : i64} {
  func.func @k(%arg0: i32, %arg1: i32, %arg2: memref<100000x64xf32, #tpu.memory_space<hbm>>, %arg3: memref<32x20x128xi32, #tpu.memory_space<hbm>>, %arg4: memref<81920x64xf32, #tpu.memory_space<hbm>>, %arg5: memref<20x128xi32, #tpu.memory_space<vmem>>, %arg6: memref<2x256x64xf32, #tpu.memory_space<vmem>>, %arg7: memref<!tpu.dma_semaphore, #tpu.memory_space<semaphore_mem>>, %arg8: memref<!tpu.dma_semaphore, #tpu.memory_space<semaphore_mem>>, %arg9: memref<!tpu.dma_semaphore, #tpu.memory_space<semaphore_mem>>, %arg10: memref<!tpu.dma_semaphore, #tpu.memory_space<semaphore_mem>>) attributes {dimension_semantics = [#tpu.dimension_semantics<core_parallel>, #tpu.dimension_semantics<subcore_parallel>], iteration_bounds = array<i64: 2, 16>, scalar_prefetch = 0 : i64, scratch_operands = 6 : i64, tpu.core_type = #tpu.core_type<sc_vector_subcore>, window_params = [{transform_indices = #map}, {transform_indices = #map1}, {transform_indices = #map}]} {
    %mul3A = arith.constant 2 : i32
    %mul3A_0 = arith.muli %arg1, %mul3A : i32
    %add3A = arith.addi %mul3A_0, %arg0 : i32
    "tpu.region"() ({
      %run_scoped3A = tpu.sem_alloc : memref<!tpu.dma_semaphore, #tpu.memory_space<semaphore_mem>>
      %dma_start3A_163 = arith.constant 0 : i32
      %dma_start3A_164 = arith.constant 0 : i32
      %dma_start3A_165 = tpu.memref_slice %arg3[%add3A, %dma_start3A_163, %dma_start3A_164] : memref<32x20x128xi32, #tpu.memory_space<hbm>> -> memref<1x20x128xi32, #tpu.memory_space<hbm>>
      %dma_start3A_166 = tpu.memref_squeeze %dma_start3A_165 : memref<1x20x128xi32, #tpu.memory_space<hbm>> -> memref<20x128xi32, #tpu.memory_space<hbm>>
      %dma_start3A_167 = arith.constant 0 : i32
      %dma_start3A_168 = arith.constant 0 : i32
      %dma_start3A_169 = tpu.memref_slice %arg3[%add3A, %dma_start3A_167, %dma_start3A_168] : memref<32x20x128xi32, #tpu.memory_space<hbm>> -> memref<1x20x128xi32, #tpu.memory_space<hbm>>
      %dma_start3A_170 = tpu.memref_squeeze %dma_start3A_169 : memref<1x20x128xi32, #tpu.memory_space<hbm>> -> memref<20x128xi32, #tpu.memory_space<hbm>>
      tpu.enqueue_dma source(%dma_start3A_170 : memref<20x128xi32, #tpu.memory_space<hbm>>) target(%arg5 : memref<20x128xi32, #tpu.memory_space<vmem>>) target_semaphore(%run_scoped3A : memref<!tpu.dma_semaphore, #tpu.memory_space<semaphore_mem>>)
      %dma_wait3A_171 = arith.constant 0 : i32
      %dma_wait3A_172 = arith.constant 0 : i32
      %dma_wait3A_173 = tpu.memref_slice %arg3[%add3A, %dma_wait3A_171, %dma_wait3A_172] : memref<32x20x128xi32, #tpu.memory_space<hbm>> -> memref<1x20x128xi32, #tpu.memory_space<hbm>>
      %dma_wait3A_174 = tpu.memref_squeeze %dma_wait3A_173 : memref<1x20x128xi32, #tpu.memory_space<hbm>> -> memref<20x128xi32, #tpu.memory_space<hbm>>
      %dma_wait3A_175 = arith.constant 0 : i32
      %dma_wait3A_176 = arith.constant 0 : i32
      %dma_wait3A_177 = tpu.memref_slice %arg3[%add3A, %dma_wait3A_175, %dma_wait3A_176] : memref<32x20x128xi32, #tpu.memory_space<hbm>> -> memref<1x20x128xi32, #tpu.memory_space<hbm>>
      %dma_wait3A_178 = tpu.memref_squeeze %dma_wait3A_177 : memref<1x20x128xi32, #tpu.memory_space<hbm>> -> memref<20x128xi32, #tpu.memory_space<hbm>>
      tpu.wait_dma2 semaphore(%run_scoped3A : memref<!tpu.dma_semaphore, #tpu.memory_space<semaphore_mem>>) src(%dma_wait3A_178 : memref<20x128xi32, #tpu.memory_space<hbm>>) dst(%arg5 : memref<20x128xi32, #tpu.memory_space<vmem>>)
      tpu.yield
    }) : () -> ()
    %mul3A_1 = arith.constant 2560 : i32
    %mul3A_2 = arith.muli %add3A, %mul3A_1 : i32
    %dma_start3A = arith.constant 0 : i32
    %dma_start3A_3 = arith.constant 0 : i32
    %dma_start3A_4 = arith.constant 0 : i32
    %dma_start3A_5 = arith.constant 0 : i32
    %dma_start3A_6 = tpu.memref_slice %arg6[%dma_start3A_3, %dma_start3A_4, %dma_start3A_5] : memref<2x256x64xf32, #tpu.memory_space<vmem>> -> memref<1x128x64xf32, #tpu.memory_space<vmem>>
    %dma_start3A_7 = tpu.memref_squeeze %dma_start3A_6 : memref<1x128x64xf32, #tpu.memory_space<vmem>> -> memref<128x64xf32, #tpu.memory_space<vmem>>
    %dma_start3A_8 = arith.constant 0 : i32
    %dma_start3A_9 = tpu.memref_slice %arg5[%dma_start3A, %dma_start3A_8] : memref<20x128xi32, #tpu.memory_space<vmem>> -> memref<1x128xi32, #tpu.memory_space<vmem>>
    %dma_start3A_10 = tpu.memref_squeeze %dma_start3A_9 : memref<1x128xi32, #tpu.memory_space<vmem>> -> memref<128xi32, #tpu.memory_space<vmem>>
    %dma_start3A_11 = arith.constant 0 : i32
    %dma_start3A_12 = arith.constant 0 : i32
    %dma_start3A_13 = tpu.memref_slice %arg2[%dma_start3A_11, %dma_start3A_12] : memref<100000x64xf32, #tpu.memory_space<hbm>> -> memref<100000x64xf32, #tpu.memory_space<hbm>>
    tpu.enqueue_indirect_dma source(%dma_start3A_13 : memref<100000x64xf32, #tpu.memory_space<hbm>>) target(%dma_start3A_7 : memref<128x64xf32, #tpu.memory_space<vmem>>) offsets(%dma_start3A_10 : memref<128xi32, #tpu.memory_space<vmem>>) semaphore(%arg7 : memref<!tpu.dma_semaphore, #tpu.memory_space<semaphore_mem>>)
    %dma_start3A_14 = arith.constant 1 : i32
    %dma_start3A_15 = arith.constant 0 : i32
    %dma_start3A_16 = arith.constant 128 : i32
    %dma_start3A_17 = arith.constant 0 : i32
    %dma_start3A_18 = tpu.memref_slice %arg6[%dma_start3A_15, %dma_start3A_16, %dma_start3A_17] : memref<2x256x64xf32, #tpu.memory_space<vmem>> -> memref<1x128x64xf32, #tpu.memory_space<vmem>>
    %dma_start3A_19 = tpu.memref_squeeze %dma_start3A_18 : memref<1x128x64xf32, #tpu.memory_space<vmem>> -> memref<128x64xf32, #tpu.memory_space<vmem>>
    %dma_start3A_20 = arith.constant 0 : i32
    %dma_start3A_21 = tpu.memref_slice %arg5[%dma_start3A_14, %dma_start3A_20] : memref<20x128xi32, #tpu.memory_space<vmem>> -> memref<1x128xi32, #tpu.memory_space<vmem>>
    %dma_start3A_22 = tpu.memref_squeeze %dma_start3A_21 : memref<1x128xi32, #tpu.memory_space<vmem>> -> memref<128xi32, #tpu.memory_space<vmem>>
    %dma_start3A_23 = arith.constant 0 : i32
    %dma_start3A_24 = arith.constant 0 : i32
    %dma_start3A_25 = tpu.memref_slice %arg2[%dma_start3A_23, %dma_start3A_24] : memref<100000x64xf32, #tpu.memory_space<hbm>> -> memref<100000x64xf32, #tpu.memory_space<hbm>>
    tpu.enqueue_indirect_dma source(%dma_start3A_25 : memref<100000x64xf32, #tpu.memory_space<hbm>>) target(%dma_start3A_19 : memref<128x64xf32, #tpu.memory_space<vmem>>) offsets(%dma_start3A_22 : memref<128xi32, #tpu.memory_space<vmem>>) semaphore(%arg7 : memref<!tpu.dma_semaphore, #tpu.memory_space<semaphore_mem>>)
    %dma_start3A_26 = arith.constant 2 : i32
    %dma_start3A_27 = arith.constant 1 : i32
    %dma_start3A_28 = arith.constant 0 : i32
    %dma_start3A_29 = arith.constant 0 : i32
    %dma_start3A_30 = tpu.memref_slice %arg6[%dma_start3A_27, %dma_start3A_28, %dma_start3A_29] : memref<2x256x64xf32, #tpu.memory_space<vmem>> -> memref<1x128x64xf32, #tpu.memory_space<vmem>>
    %dma_start3A_31 = tpu.memref_squeeze %dma_start3A_30 : memref<1x128x64xf32, #tpu.memory_space<vmem>> -> memref<128x64xf32, #tpu.memory_space<vmem>>
    %dma_start3A_32 = arith.constant 0 : i32
    %dma_start3A_33 = tpu.memref_slice %arg5[%dma_start3A_26, %dma_start3A_32] : memref<20x128xi32, #tpu.memory_space<vmem>> -> memref<1x128xi32, #tpu.memory_space<vmem>>
    %dma_start3A_34 = tpu.memref_squeeze %dma_start3A_33 : memref<1x128xi32, #tpu.memory_space<vmem>> -> memref<128xi32, #tpu.memory_space<vmem>>
    %dma_start3A_35 = arith.constant 0 : i32
    %dma_start3A_36 = arith.constant 0 : i32
    %dma_start3A_37 = tpu.memref_slice %arg2[%dma_start3A_35, %dma_start3A_36] : memref<100000x64xf32, #tpu.memory_space<hbm>> -> memref<100000x64xf32, #tpu.memory_space<hbm>>
    tpu.enqueue_indirect_dma source(%dma_start3A_37 : memref<100000x64xf32, #tpu.memory_space<hbm>>) target(%dma_start3A_31 : memref<128x64xf32, #tpu.memory_space<vmem>>) offsets(%dma_start3A_34 : memref<128xi32, #tpu.memory_space<vmem>>) semaphore(%arg8 : memref<!tpu.dma_semaphore, #tpu.memory_space<semaphore_mem>>)
    %dma_start3A_38 = arith.constant 3 : i32
    %dma_start3A_39 = arith.constant 1 : i32
    %dma_start3A_40 = arith.constant 128 : i32
    %dma_start3A_41 = arith.constant 0 : i32
    %dma_start3A_42 = tpu.memref_slice %arg6[%dma_start3A_39, %dma_start3A_40, %dma_start3A_41] : memref<2x256x64xf32, #tpu.memory_space<vmem>> -> memref<1x128x64xf32, #tpu.memory_space<vmem>>
    %dma_start3A_43 = tpu.memref_squeeze %dma_start3A_42 : memref<1x128x64xf32, #tpu.memory_space<vmem>> -> memref<128x64xf32, #tpu.memory_space<vmem>>
    %dma_start3A_44 = arith.constant 0 : i32
    %dma_start3A_45 = tpu.memref_slice %arg5[%dma_start3A_38, %dma_start3A_44] : memref<20x128xi32, #tpu.memory_space<vmem>> -> memref<1x128xi32, #tpu.memory_space<vmem>>
    %dma_start3A_46 = tpu.memref_squeeze %dma_start3A_45 : memref<1x128xi32, #tpu.memory_space<vmem>> -> memref<128xi32, #tpu.memory_space<vmem>>
    %dma_start3A_47 = arith.constant 0 : i32
    %dma_start3A_48 = arith.constant 0 : i32
    %dma_start3A_49 = tpu.memref_slice %arg2[%dma_start3A_47, %dma_start3A_48] : memref<100000x64xf32, #tpu.memory_space<hbm>> -> memref<100000x64xf32, #tpu.memory_space<hbm>>
    tpu.enqueue_indirect_dma source(%dma_start3A_49 : memref<100000x64xf32, #tpu.memory_space<hbm>>) target(%dma_start3A_43 : memref<128x64xf32, #tpu.memory_space<vmem>>) offsets(%dma_start3A_46 : memref<128xi32, #tpu.memory_space<vmem>>) semaphore(%arg8 : memref<!tpu.dma_semaphore, #tpu.memory_space<semaphore_mem>>)
    %dma_wait3A = arith.constant 0 : i32
    %dma_wait3A_50 = arith.constant 0 : i32
    %dma_wait3A_51 = arith.constant 0 : i32
    %dma_wait3A_52 = arith.constant 0 : i32
    %dma_wait3A_53 = tpu.memref_slice %arg6[%dma_wait3A_50, %dma_wait3A_51, %dma_wait3A_52] : memref<2x256x64xf32, #tpu.memory_space<vmem>> -> memref<1x128x64xf32, #tpu.memory_space<vmem>>
    %dma_wait3A_54 = tpu.memref_squeeze %dma_wait3A_53 : memref<1x128x64xf32, #tpu.memory_space<vmem>> -> memref<128x64xf32, #tpu.memory_space<vmem>>
    %dma_wait3A_55 = arith.constant 0 : i32
    %dma_wait3A_56 = tpu.memref_slice %arg5[%dma_wait3A, %dma_wait3A_55] : memref<20x128xi32, #tpu.memory_space<vmem>> -> memref<1x128xi32, #tpu.memory_space<vmem>>
    %dma_wait3A_57 = tpu.memref_squeeze %dma_wait3A_56 : memref<1x128xi32, #tpu.memory_space<vmem>> -> memref<128xi32, #tpu.memory_space<vmem>>
    %dma_wait3A_58 = arith.constant 0 : i32
    %dma_wait3A_59 = arith.constant 0 : i32
    %dma_wait3A_60 = tpu.memref_slice %arg2[%dma_wait3A_58, %dma_wait3A_59] : memref<100000x64xf32, #tpu.memory_space<hbm>> -> memref<100000x64xf32, #tpu.memory_space<hbm>>
    tpu.wait_indirect_dma semaphore(%arg7 : memref<!tpu.dma_semaphore, #tpu.memory_space<semaphore_mem>>) src(%dma_wait3A_60 : memref<100000x64xf32, #tpu.memory_space<hbm>>) dst(%dma_wait3A_54 : memref<128x64xf32, #tpu.memory_space<vmem>>)
    %dma_wait3A_61 = arith.constant 1 : i32
    %dma_wait3A_62 = arith.constant 0 : i32
    %dma_wait3A_63 = arith.constant 128 : i32
    %dma_wait3A_64 = arith.constant 0 : i32
    %dma_wait3A_65 = tpu.memref_slice %arg6[%dma_wait3A_62, %dma_wait3A_63, %dma_wait3A_64] : memref<2x256x64xf32, #tpu.memory_space<vmem>> -> memref<1x128x64xf32, #tpu.memory_space<vmem>>
    %dma_wait3A_66 = tpu.memref_squeeze %dma_wait3A_65 : memref<1x128x64xf32, #tpu.memory_space<vmem>> -> memref<128x64xf32, #tpu.memory_space<vmem>>
    %dma_wait3A_67 = arith.constant 0 : i32
    %dma_wait3A_68 = tpu.memref_slice %arg5[%dma_wait3A_61, %dma_wait3A_67] : memref<20x128xi32, #tpu.memory_space<vmem>> -> memref<1x128xi32, #tpu.memory_space<vmem>>
    %dma_wait3A_69 = tpu.memref_squeeze %dma_wait3A_68 : memref<1x128xi32, #tpu.memory_space<vmem>> -> memref<128xi32, #tpu.memory_space<vmem>>
    %dma_wait3A_70 = arith.constant 0 : i32
    %dma_wait3A_71 = arith.constant 0 : i32
    %dma_wait3A_72 = tpu.memref_slice %arg2[%dma_wait3A_70, %dma_wait3A_71] : memref<100000x64xf32, #tpu.memory_space<hbm>> -> memref<100000x64xf32, #tpu.memory_space<hbm>>
    tpu.wait_indirect_dma semaphore(%arg7 : memref<!tpu.dma_semaphore, #tpu.memory_space<semaphore_mem>>) src(%dma_wait3A_72 : memref<100000x64xf32, #tpu.memory_space<hbm>>) dst(%dma_wait3A_66 : memref<128x64xf32, #tpu.memory_space<vmem>>)
    %add3A_73 = arith.constant 0 : i32
    %add3A_74 = arith.addi %mul3A_2, %add3A_73 : i32
    %dma_start3A_75 = arith.constant 0 : i32
    %dma_start3A_76 = arith.constant 0 : i32
    %dma_start3A_77 = arith.constant 0 : i32
    %dma_start3A_78 = tpu.memref_slice %arg6[%dma_start3A_75, %dma_start3A_76, %dma_start3A_77] : memref<2x256x64xf32, #tpu.memory_space<vmem>> -> memref<1x256x64xf32, #tpu.memory_space<vmem>>
    %dma_start3A_79 = tpu.memref_squeeze %dma_start3A_78 : memref<1x256x64xf32, #tpu.memory_space<vmem>> -> memref<256x64xf32, #tpu.memory_space<vmem>>
    %dma_start3A_80 = arith.constant 0 : i32
    %dma_start3A_81 = tpu.memref_slice %arg4[%add3A_74, %dma_start3A_80] : memref<81920x64xf32, #tpu.memory_space<hbm>> -> memref<256x64xf32, #tpu.memory_space<hbm>>
    %dma_start3A_82 = arith.constant 0 : i32
    %dma_start3A_83 = tpu.memref_slice %arg4[%add3A_74, %dma_start3A_82] : memref<81920x64xf32, #tpu.memory_space<hbm>> -> memref<256x64xf32, #tpu.memory_space<hbm>>
    %dma_start3A_84 = arith.constant 0 : i32
    %dma_start3A_85 = arith.constant 0 : i32
    %dma_start3A_86 = tpu.memref_slice %arg6[%dma_start3A_75, %dma_start3A_84, %dma_start3A_85] : memref<2x256x64xf32, #tpu.memory_space<vmem>> -> memref<1x256x64xf32, #tpu.memory_space<vmem>>
    %dma_start3A_87 = tpu.memref_squeeze %dma_start3A_86 : memref<1x256x64xf32, #tpu.memory_space<vmem>> -> memref<256x64xf32, #tpu.memory_space<vmem>>
    tpu.enqueue_dma source(%dma_start3A_87 : memref<256x64xf32, #tpu.memory_space<vmem>>) target(%dma_start3A_83 : memref<256x64xf32, #tpu.memory_space<hbm>>) target_semaphore(%arg9 : memref<!tpu.dma_semaphore, #tpu.memory_space<semaphore_mem>>)
    %scan3A = arith.constant 0 : i32
    %scan3A_88 = arith.constant 0 : i32
    %scan3A_89 = arith.constant 4 : i32
    %scan3A_90 = arith.addi %scan3A_88, %scan3A_89 : i32
    %scan3A_91 = arith.constant 1 : i32
    %scan3A_92 = scf.for %scan3A_163 = %scan3A_88 to %scan3A_90 step %scan3A_91 iter_args(%scan3A_164 = %scan3A) -> (i32)  : i32 {
      %mul3A_165 = arith.constant 2 : i32
      %mul3A_166 = arith.muli %mul3A_165, %scan3A_163 : i32
      %add3A_167 = arith.constant 2 : i32
      %add3A_168 = arith.addi %add3A_167, %mul3A_166 : i32
      %sub3A = arith.constant 1 : i32
      %sub3A_169 = arith.subi %add3A_168, %sub3A : i32
      %mul3A_170 = arith.constant 2 : i32
      %mul3A_171 = arith.muli %sub3A_169, %mul3A_170 : i32
      %add3A_172 = arith.constant 0 : i32
      %add3A_173 = arith.addi %mul3A_171, %add3A_172 : i32
      %dma_wait3A_174 = arith.constant 1 : i32
      %dma_wait3A_175 = arith.constant 0 : i32
      %dma_wait3A_176 = arith.constant 0 : i32
      %dma_wait3A_177 = tpu.memref_slice %arg6[%dma_wait3A_174, %dma_wait3A_175, %dma_wait3A_176] : memref<2x256x64xf32, #tpu.memory_space<vmem>> -> memref<1x128x64xf32, #tpu.memory_space<vmem>>
      %dma_wait3A_178 = tpu.memref_squeeze %dma_wait3A_177 : memref<1x128x64xf32, #tpu.memory_space<vmem>> -> memref<128x64xf32, #tpu.memory_space<vmem>>
      %dma_wait3A_179 = arith.constant 0 : i32
      %dma_wait3A_180 = tpu.memref_slice %arg5[%add3A_173, %dma_wait3A_179] : memref<20x128xi32, #tpu.memory_space<vmem>> -> memref<1x128xi32, #tpu.memory_space<vmem>>
      %dma_wait3A_181 = tpu.memref_squeeze %dma_wait3A_180 : memref<1x128xi32, #tpu.memory_space<vmem>> -> memref<128xi32, #tpu.memory_space<vmem>>
      %dma_wait3A_182 = arith.constant 0 : i32
      %dma_wait3A_183 = arith.constant 0 : i32
      %dma_wait3A_184 = tpu.memref_slice %arg2[%dma_wait3A_182, %dma_wait3A_183] : memref<100000x64xf32, #tpu.memory_space<hbm>> -> memref<100000x64xf32, #tpu.memory_space<hbm>>
      tpu.wait_indirect_dma semaphore(%arg8 : memref<!tpu.dma_semaphore, #tpu.memory_space<semaphore_mem>>) src(%dma_wait3A_184 : memref<100000x64xf32, #tpu.memory_space<hbm>>) dst(%dma_wait3A_178 : memref<128x64xf32, #tpu.memory_space<vmem>>)
      %mul3A_185 = arith.constant 2 : i32
      %mul3A_186 = arith.muli %sub3A_169, %mul3A_185 : i32
      %add3A_187 = arith.constant 1 : i32
      %add3A_188 = arith.addi %mul3A_186, %add3A_187 : i32
      %dma_wait3A_189 = arith.constant 1 : i32
      %dma_wait3A_190 = arith.constant 128 : i32
      %dma_wait3A_191 = arith.constant 0 : i32
      %dma_wait3A_192 = tpu.memref_slice %arg6[%dma_wait3A_189, %dma_wait3A_190, %dma_wait3A_191] : memref<2x256x64xf32, #tpu.memory_space<vmem>> -> memref<1x128x64xf32, #tpu.memory_space<vmem>>
      %dma_wait3A_193 = tpu.memref_squeeze %dma_wait3A_192 : memref<1x128x64xf32, #tpu.memory_space<vmem>> -> memref<128x64xf32, #tpu.memory_space<vmem>>
      %dma_wait3A_194 = arith.constant 0 : i32
      %dma_wait3A_195 = tpu.memref_slice %arg5[%add3A_188, %dma_wait3A_194] : memref<20x128xi32, #tpu.memory_space<vmem>> -> memref<1x128xi32, #tpu.memory_space<vmem>>
      %dma_wait3A_196 = tpu.memref_squeeze %dma_wait3A_195 : memref<1x128xi32, #tpu.memory_space<vmem>> -> memref<128xi32, #tpu.memory_space<vmem>>
      %dma_wait3A_197 = arith.constant 0 : i32
      %dma_wait3A_198 = arith.constant 0 : i32
      %dma_wait3A_199 = tpu.memref_slice %arg2[%dma_wait3A_197, %dma_wait3A_198] : memref<100000x64xf32, #tpu.memory_space<hbm>> -> memref<100000x64xf32, #tpu.memory_space<hbm>>
      tpu.wait_indirect_dma semaphore(%arg8 : memref<!tpu.dma_semaphore, #tpu.memory_space<semaphore_mem>>) src(%dma_wait3A_199 : memref<100000x64xf32, #tpu.memory_space<hbm>>) dst(%dma_wait3A_193 : memref<128x64xf32, #tpu.memory_space<vmem>>)
      %sub3A_200 = arith.constant 1 : i32
      %sub3A_201 = arith.subi %add3A_168, %sub3A_200 : i32
      %mul3A_202 = arith.constant 2 : i32
      %mul3A_203 = arith.muli %sub3A_201, %mul3A_202 : i32
      %mul3A_204 = arith.constant 128 : i32
      %mul3A_205 = arith.muli %mul3A_203, %mul3A_204 : i32
      %add3A_206 = arith.addi %mul3A_2, %mul3A_205 : i32
      %dma_start3A_207 = arith.constant 1 : i32
      %dma_start3A_208 = arith.constant 0 : i32
      %dma_start3A_209 = arith.constant 0 : i32
      %dma_start3A_210 = tpu.memref_slice %arg6[%dma_start3A_207, %dma_start3A_208, %dma_start3A_209] : memref<2x256x64xf32, #tpu.memory_space<vmem>> -> memref<1x256x64xf32, #tpu.memory_space<vmem>>
      %dma_start3A_211 = tpu.memref_squeeze %dma_start3A_210 : memref<1x256x64xf32, #tpu.memory_space<vmem>> -> memref<256x64xf32, #tpu.memory_space<vmem>>
      %dma_start3A_212 = arith.constant 0 : i32
      %dma_start3A_213 = tpu.memref_slice %arg4[%add3A_206, %dma_start3A_212] : memref<81920x64xf32, #tpu.memory_space<hbm>> -> memref<256x64xf32, #tpu.memory_space<hbm>>
      %dma_start3A_214 = arith.constant 0 : i32
      %dma_start3A_215 = tpu.memref_slice %arg4[%add3A_206, %dma_start3A_214] : memref<81920x64xf32, #tpu.memory_space<hbm>> -> memref<256x64xf32, #tpu.memory_space<hbm>>
      %dma_start3A_216 = arith.constant 0 : i32
      %dma_start3A_217 = arith.constant 0 : i32
      %dma_start3A_218 = tpu.memref_slice %arg6[%dma_start3A_207, %dma_start3A_216, %dma_start3A_217] : memref<2x256x64xf32, #tpu.memory_space<vmem>> -> memref<1x256x64xf32, #tpu.memory_space<vmem>>
      %dma_start3A_219 = tpu.memref_squeeze %dma_start3A_218 : memref<1x256x64xf32, #tpu.memory_space<vmem>> -> memref<256x64xf32, #tpu.memory_space<vmem>>
      tpu.enqueue_dma source(%dma_start3A_219 : memref<256x64xf32, #tpu.memory_space<vmem>>) target(%dma_start3A_215 : memref<256x64xf32, #tpu.memory_space<hbm>>) target_semaphore(%arg10 : memref<!tpu.dma_semaphore, #tpu.memory_space<semaphore_mem>>)
      %sub3A_220 = arith.constant 2 : i32
      %sub3A_221 = arith.subi %add3A_168, %sub3A_220 : i32
      %mul3A_222 = arith.constant 2 : i32
      %mul3A_223 = arith.muli %sub3A_221, %mul3A_222 : i32
      %mul3A_224 = arith.constant 128 : i32
      %mul3A_225 = arith.muli %mul3A_223, %mul3A_224 : i32
      %add3A_226 = arith.addi %mul3A_2, %mul3A_225 : i32
      %dma_wait3A_227 = arith.constant 0 : i32
      %dma_wait3A_228 = arith.constant 0 : i32
      %dma_wait3A_229 = arith.constant 0 : i32
      %dma_wait3A_230 = tpu.memref_slice %arg6[%dma_wait3A_227, %dma_wait3A_228, %dma_wait3A_229] : memref<2x256x64xf32, #tpu.memory_space<vmem>> -> memref<1x256x64xf32, #tpu.memory_space<vmem>>
      %dma_wait3A_231 = tpu.memref_squeeze %dma_wait3A_230 : memref<1x256x64xf32, #tpu.memory_space<vmem>> -> memref<256x64xf32, #tpu.memory_space<vmem>>
      %dma_wait3A_232 = arith.constant 0 : i32
      %dma_wait3A_233 = tpu.memref_slice %arg4[%add3A_226, %dma_wait3A_232] : memref<81920x64xf32, #tpu.memory_space<hbm>> -> memref<256x64xf32, #tpu.memory_space<hbm>>
      %dma_wait3A_234 = arith.constant 0 : i32
      %dma_wait3A_235 = tpu.memref_slice %arg4[%add3A_226, %dma_wait3A_234] : memref<81920x64xf32, #tpu.memory_space<hbm>> -> memref<256x64xf32, #tpu.memory_space<hbm>>
      %dma_wait3A_236 = arith.constant 0 : i32
      %dma_wait3A_237 = arith.constant 0 : i32
      %dma_wait3A_238 = tpu.memref_slice %arg6[%dma_wait3A_227, %dma_wait3A_236, %dma_wait3A_237] : memref<2x256x64xf32, #tpu.memory_space<vmem>> -> memref<1x256x64xf32, #tpu.memory_space<vmem>>
      %dma_wait3A_239 = tpu.memref_squeeze %dma_wait3A_238 : memref<1x256x64xf32, #tpu.memory_space<vmem>> -> memref<256x64xf32, #tpu.memory_space<vmem>>
      tpu.wait_dma2 semaphore(%arg9 : memref<!tpu.dma_semaphore, #tpu.memory_space<semaphore_mem>>) src(%dma_wait3A_239 : memref<256x64xf32, #tpu.memory_space<vmem>>) dst(%dma_wait3A_235 : memref<256x64xf32, #tpu.memory_space<hbm>>)
      %mul3A_240 = arith.constant 2 : i32
      %mul3A_241 = arith.muli %add3A_168, %mul3A_240 : i32
      %add3A_242 = arith.constant 0 : i32
      %add3A_243 = arith.addi %mul3A_241, %add3A_242 : i32
      %dma_start3A_244 = arith.constant 0 : i32
      %dma_start3A_245 = arith.constant 0 : i32
      %dma_start3A_246 = arith.constant 0 : i32
      %dma_start3A_247 = tpu.memref_slice %arg6[%dma_start3A_244, %dma_start3A_245, %dma_start3A_246] : memref<2x256x64xf32, #tpu.memory_space<vmem>> -> memref<1x128x64xf32, #tpu.memory_space<vmem>>
      %dma_start3A_248 = tpu.memref_squeeze %dma_start3A_247 : memref<1x128x64xf32, #tpu.memory_space<vmem>> -> memref<128x64xf32, #tpu.memory_space<vmem>>
      %dma_start3A_249 = arith.constant 0 : i32
      %dma_start3A_250 = tpu.memref_slice %arg5[%add3A_243, %dma_start3A_249] : memref<20x128xi32, #tpu.memory_space<vmem>> -> memref<1x128xi32, #tpu.memory_space<vmem>>
      %dma_start3A_251 = tpu.memref_squeeze %dma_start3A_250 : memref<1x128xi32, #tpu.memory_space<vmem>> -> memref<128xi32, #tpu.memory_space<vmem>>
      %dma_start3A_252 = arith.constant 0 : i32
      %dma_start3A_253 = arith.constant 0 : i32
      %dma_start3A_254 = tpu.memref_slice %arg2[%dma_start3A_252, %dma_start3A_253] : memref<100000x64xf32, #tpu.memory_space<hbm>> -> memref<100000x64xf32, #tpu.memory_space<hbm>>
      tpu.enqueue_indirect_dma source(%dma_start3A_254 : memref<100000x64xf32, #tpu.memory_space<hbm>>) target(%dma_start3A_248 : memref<128x64xf32, #tpu.memory_space<vmem>>) offsets(%dma_start3A_251 : memref<128xi32, #tpu.memory_space<vmem>>) semaphore(%arg7 : memref<!tpu.dma_semaphore, #tpu.memory_space<semaphore_mem>>)
      %mul3A_255 = arith.constant 2 : i32
      %mul3A_256 = arith.muli %add3A_168, %mul3A_255 : i32
      %add3A_257 = arith.constant 1 : i32
      %add3A_258 = arith.addi %mul3A_256, %add3A_257 : i32
      %dma_start3A_259 = arith.constant 0 : i32
      %dma_start3A_260 = arith.constant 128 : i32
      %dma_start3A_261 = arith.constant 0 : i32
      %dma_start3A_262 = tpu.memref_slice %arg6[%dma_start3A_259, %dma_start3A_260, %dma_start3A_261] : memref<2x256x64xf32, #tpu.memory_space<vmem>> -> memref<1x128x64xf32, #tpu.memory_space<vmem>>
      %dma_start3A_263 = tpu.memref_squeeze %dma_start3A_262 : memref<1x128x64xf32, #tpu.memory_space<vmem>> -> memref<128x64xf32, #tpu.memory_space<vmem>>
      %dma_start3A_264 = arith.constant 0 : i32
      %dma_start3A_265 = tpu.memref_slice %arg5[%add3A_258, %dma_start3A_264] : memref<20x128xi32, #tpu.memory_space<vmem>> -> memref<1x128xi32, #tpu.memory_space<vmem>>
      %dma_start3A_266 = tpu.memref_squeeze %dma_start3A_265 : memref<1x128xi32, #tpu.memory_space<vmem>> -> memref<128xi32, #tpu.memory_space<vmem>>
      %dma_start3A_267 = arith.constant 0 : i32
      %dma_start3A_268 = arith.constant 0 : i32
      %dma_start3A_269 = tpu.memref_slice %arg2[%dma_start3A_267, %dma_start3A_268] : memref<100000x64xf32, #tpu.memory_space<hbm>> -> memref<100000x64xf32, #tpu.memory_space<hbm>>
      tpu.enqueue_indirect_dma source(%dma_start3A_269 : memref<100000x64xf32, #tpu.memory_space<hbm>>) target(%dma_start3A_263 : memref<128x64xf32, #tpu.memory_space<vmem>>) offsets(%dma_start3A_266 : memref<128xi32, #tpu.memory_space<vmem>>) semaphore(%arg7 : memref<!tpu.dma_semaphore, #tpu.memory_space<semaphore_mem>>)
      %mul3A_270 = arith.constant 2 : i32
      %mul3A_271 = arith.muli %add3A_168, %mul3A_270 : i32
      %add3A_272 = arith.constant 0 : i32
      %add3A_273 = arith.addi %mul3A_271, %add3A_272 : i32
      %dma_wait3A_274 = arith.constant 0 : i32
      %dma_wait3A_275 = arith.constant 0 : i32
      %dma_wait3A_276 = arith.constant 0 : i32
      %dma_wait3A_277 = tpu.memref_slice %arg6[%dma_wait3A_274, %dma_wait3A_275, %dma_wait3A_276] : memref<2x256x64xf32, #tpu.memory_space<vmem>> -> memref<1x128x64xf32, #tpu.memory_space<vmem>>
      %dma_wait3A_278 = tpu.memref_squeeze %dma_wait3A_277 : memref<1x128x64xf32, #tpu.memory_space<vmem>> -> memref<128x64xf32, #tpu.memory_space<vmem>>
      %dma_wait3A_279 = arith.constant 0 : i32
      %dma_wait3A_280 = tpu.memref_slice %arg5[%add3A_273, %dma_wait3A_279] : memref<20x128xi32, #tpu.memory_space<vmem>> -> memref<1x128xi32, #tpu.memory_space<vmem>>
      %dma_wait3A_281 = tpu.memref_squeeze %dma_wait3A_280 : memref<1x128xi32, #tpu.memory_space<vmem>> -> memref<128xi32, #tpu.memory_space<vmem>>
      %dma_wait3A_282 = arith.constant 0 : i32
      %dma_wait3A_283 = arith.constant 0 : i32
      %dma_wait3A_284 = tpu.memref_slice %arg2[%dma_wait3A_282, %dma_wait3A_283] : memref<100000x64xf32, #tpu.memory_space<hbm>> -> memref<100000x64xf32, #tpu.memory_space<hbm>>
      tpu.wait_indirect_dma semaphore(%arg7 : memref<!tpu.dma_semaphore, #tpu.memory_space<semaphore_mem>>) src(%dma_wait3A_284 : memref<100000x64xf32, #tpu.memory_space<hbm>>) dst(%dma_wait3A_278 : memref<128x64xf32, #tpu.memory_space<vmem>>)
      %mul3A_285 = arith.constant 2 : i32
      %mul3A_286 = arith.muli %add3A_168, %mul3A_285 : i32
      %add3A_287 = arith.constant 1 : i32
      %add3A_288 = arith.addi %mul3A_286, %add3A_287 : i32
      %dma_wait3A_289 = arith.constant 0 : i32
      %dma_wait3A_290 = arith.constant 128 : i32
      %dma_wait3A_291 = arith.constant 0 : i32
      %dma_wait3A_292 = tpu.memref_slice %arg6[%dma_wait3A_289, %dma_wait3A_290, %dma_wait3A_291] : memref<2x256x64xf32, #tpu.memory_space<vmem>> -> memref<1x128x64xf32, #tpu.memory_space<vmem>>
      %dma_wait3A_293 = tpu.memref_squeeze %dma_wait3A_292 : memref<1x128x64xf32, #tpu.memory_space<vmem>> -> memref<128x64xf32, #tpu.memory_space<vmem>>
      %dma_wait3A_294 = arith.constant 0 : i32
      %dma_wait3A_295 = tpu.memref_slice %arg5[%add3A_288, %dma_wait3A_294] : memref<20x128xi32, #tpu.memory_space<vmem>> -> memref<1x128xi32, #tpu.memory_space<vmem>>
      %dma_wait3A_296 = tpu.memref_squeeze %dma_wait3A_295 : memref<1x128xi32, #tpu.memory_space<vmem>> -> memref<128xi32, #tpu.memory_space<vmem>>
      %dma_wait3A_297 = arith.constant 0 : i32
      %dma_wait3A_298 = arith.constant 0 : i32
      %dma_wait3A_299 = tpu.memref_slice %arg2[%dma_wait3A_297, %dma_wait3A_298] : memref<100000x64xf32, #tpu.memory_space<hbm>> -> memref<100000x64xf32, #tpu.memory_space<hbm>>
      tpu.wait_indirect_dma semaphore(%arg7 : memref<!tpu.dma_semaphore, #tpu.memory_space<semaphore_mem>>) src(%dma_wait3A_299 : memref<100000x64xf32, #tpu.memory_space<hbm>>) dst(%dma_wait3A_293 : memref<128x64xf32, #tpu.memory_space<vmem>>)
      %mul3A_300 = arith.constant 2 : i32
      %mul3A_301 = arith.muli %add3A_168, %mul3A_300 : i32
      %mul3A_302 = arith.constant 128 : i32
      %mul3A_303 = arith.muli %mul3A_301, %mul3A_302 : i32
      %add3A_304 = arith.addi %mul3A_2, %mul3A_303 : i32
      %dma_start3A_305 = arith.constant 0 : i32
      %dma_start3A_306 = arith.constant 0 : i32
      %dma_start3A_307 = arith.constant 0 : i32
      %dma_start3A_308 = tpu.memref_slice %arg6[%dma_start3A_305, %dma_start3A_306, %dma_start3A_307] : memref<2x256x64xf32, #tpu.memory_space<vmem>> -> memref<1x256x64xf32, #tpu.memory_space<vmem>>
      %dma_start3A_309 = tpu.memref_squeeze %dma_start3A_308 : memref<1x256x64xf32, #tpu.memory_space<vmem>> -> memref<256x64xf32, #tpu.memory_space<vmem>>
      %dma_start3A_310 = arith.constant 0 : i32
      %dma_start3A_311 = tpu.memref_slice %arg4[%add3A_304, %dma_start3A_310] : memref<81920x64xf32, #tpu.memory_space<hbm>> -> memref<256x64xf32, #tpu.memory_space<hbm>>
      %dma_start3A_312 = arith.constant 0 : i32
      %dma_start3A_313 = tpu.memref_slice %arg4[%add3A_304, %dma_start3A_312] : memref<81920x64xf32, #tpu.memory_space<hbm>> -> memref<256x64xf32, #tpu.memory_space<hbm>>
      %dma_start3A_314 = arith.constant 0 : i32
      %dma_start3A_315 = arith.constant 0 : i32
      %dma_start3A_316 = tpu.memref_slice %arg6[%dma_start3A_305, %dma_start3A_314, %dma_start3A_315] : memref<2x256x64xf32, #tpu.memory_space<vmem>> -> memref<1x256x64xf32, #tpu.memory_space<vmem>>
      %dma_start3A_317 = tpu.memref_squeeze %dma_start3A_316 : memref<1x256x64xf32, #tpu.memory_space<vmem>> -> memref<256x64xf32, #tpu.memory_space<vmem>>
      tpu.enqueue_dma source(%dma_start3A_317 : memref<256x64xf32, #tpu.memory_space<vmem>>) target(%dma_start3A_313 : memref<256x64xf32, #tpu.memory_space<hbm>>) target_semaphore(%arg9 : memref<!tpu.dma_semaphore, #tpu.memory_space<semaphore_mem>>)
      %sub3A_318 = arith.constant 1 : i32
      %sub3A_319 = arith.subi %add3A_168, %sub3A_318 : i32
      %mul3A_320 = arith.constant 2 : i32
      %mul3A_321 = arith.muli %sub3A_319, %mul3A_320 : i32
      %mul3A_322 = arith.constant 128 : i32
      %mul3A_323 = arith.muli %mul3A_321, %mul3A_322 : i32
      %add3A_324 = arith.addi %mul3A_2, %mul3A_323 : i32
      %dma_wait3A_325 = arith.constant 1 : i32
      %dma_wait3A_326 = arith.constant 0 : i32
      %dma_wait3A_327 = arith.constant 0 : i32
      %dma_wait3A_328 = tpu.memref_slice %arg6[%dma_wait3A_325, %dma_wait3A_326, %dma_wait3A_327] : memref<2x256x64xf32, #tpu.memory_space<vmem>> -> memref<1x256x64xf32, #tpu.memory_space<vmem>>
      %dma_wait3A_329 = tpu.memref_squeeze %dma_wait3A_328 : memref<1x256x64xf32, #tpu.memory_space<vmem>> -> memref<256x64xf32, #tpu.memory_space<vmem>>
      %dma_wait3A_330 = arith.constant 0 : i32
      %dma_wait3A_331 = tpu.memref_slice %arg4[%add3A_324, %dma_wait3A_330] : memref<81920x64xf32, #tpu.memory_space<hbm>> -> memref<256x64xf32, #tpu.memory_space<hbm>>
      %dma_wait3A_332 = arith.constant 0 : i32
      %dma_wait3A_333 = tpu.memref_slice %arg4[%add3A_324, %dma_wait3A_332] : memref<81920x64xf32, #tpu.memory_space<hbm>> -> memref<256x64xf32, #tpu.memory_space<hbm>>
      %dma_wait3A_334 = arith.constant 0 : i32
      %dma_wait3A_335 = arith.constant 0 : i32
      %dma_wait3A_336 = tpu.memref_slice %arg6[%dma_wait3A_325, %dma_wait3A_334, %dma_wait3A_335] : memref<2x256x64xf32, #tpu.memory_space<vmem>> -> memref<1x256x64xf32, #tpu.memory_space<vmem>>
      %dma_wait3A_337 = tpu.memref_squeeze %dma_wait3A_336 : memref<1x256x64xf32, #tpu.memory_space<vmem>> -> memref<256x64xf32, #tpu.memory_space<vmem>>
      tpu.wait_dma2 semaphore(%arg10 : memref<!tpu.dma_semaphore, #tpu.memory_space<semaphore_mem>>) src(%dma_wait3A_337 : memref<256x64xf32, #tpu.memory_space<vmem>>) dst(%dma_wait3A_333 : memref<256x64xf32, #tpu.memory_space<hbm>>)
      %add3A_338 = arith.constant 1 : i32
      %add3A_339 = arith.addi %add3A_168, %add3A_338 : i32
      %mul3A_340 = arith.constant 2 : i32
      %mul3A_341 = arith.muli %add3A_339, %mul3A_340 : i32
      %add3A_342 = arith.constant 0 : i32
      %add3A_343 = arith.addi %mul3A_341, %add3A_342 : i32
      %dma_start3A_344 = arith.constant 1 : i32
      %dma_start3A_345 = arith.constant 0 : i32
      %dma_start3A_346 = arith.constant 0 : i32
      %dma_start3A_347 = tpu.memref_slice %arg6[%dma_start3A_344, %dma_start3A_345, %dma_start3A_346] : memref<2x256x64xf32, #tpu.memory_space<vmem>> -> memref<1x128x64xf32, #tpu.memory_space<vmem>>
      %dma_start3A_348 = tpu.memref_squeeze %dma_start3A_347 : memref<1x128x64xf32, #tpu.memory_space<vmem>> -> memref<128x64xf32, #tpu.memory_space<vmem>>
      %dma_start3A_349 = arith.constant 0 : i32
      %dma_start3A_350 = tpu.memref_slice %arg5[%add3A_343, %dma_start3A_349] : memref<20x128xi32, #tpu.memory_space<vmem>> -> memref<1x128xi32, #tpu.memory_space<vmem>>
      %dma_start3A_351 = tpu.memref_squeeze %dma_start3A_350 : memref<1x128xi32, #tpu.memory_space<vmem>> -> memref<128xi32, #tpu.memory_space<vmem>>
      %dma_start3A_352 = arith.constant 0 : i32
      %dma_start3A_353 = arith.constant 0 : i32
      %dma_start3A_354 = tpu.memref_slice %arg2[%dma_start3A_352, %dma_start3A_353] : memref<100000x64xf32, #tpu.memory_space<hbm>> -> memref<100000x64xf32, #tpu.memory_space<hbm>>
      tpu.enqueue_indirect_dma source(%dma_start3A_354 : memref<100000x64xf32, #tpu.memory_space<hbm>>) target(%dma_start3A_348 : memref<128x64xf32, #tpu.memory_space<vmem>>) offsets(%dma_start3A_351 : memref<128xi32, #tpu.memory_space<vmem>>) semaphore(%arg8 : memref<!tpu.dma_semaphore, #tpu.memory_space<semaphore_mem>>)
      %mul3A_355 = arith.constant 2 : i32
      %mul3A_356 = arith.muli %add3A_339, %mul3A_355 : i32
      %add3A_357 = arith.constant 1 : i32
      %add3A_358 = arith.addi %mul3A_356, %add3A_357 : i32
      %dma_start3A_359 = arith.constant 1 : i32
      %dma_start3A_360 = arith.constant 128 : i32
      %dma_start3A_361 = arith.constant 0 : i32
      %dma_start3A_362 = tpu.memref_slice %arg6[%dma_start3A_359, %dma_start3A_360, %dma_start3A_361] : memref<2x256x64xf32, #tpu.memory_space<vmem>> -> memref<1x128x64xf32, #tpu.memory_space<vmem>>
      %dma_start3A_363 = tpu.memref_squeeze %dma_start3A_362 : memref<1x128x64xf32, #tpu.memory_space<vmem>> -> memref<128x64xf32, #tpu.memory_space<vmem>>
      %dma_start3A_364 = arith.constant 0 : i32
      %dma_start3A_365 = tpu.memref_slice %arg5[%add3A_358, %dma_start3A_364] : memref<20x128xi32, #tpu.memory_space<vmem>> -> memref<1x128xi32, #tpu.memory_space<vmem>>
      %dma_start3A_366 = tpu.memref_squeeze %dma_start3A_365 : memref<1x128xi32, #tpu.memory_space<vmem>> -> memref<128xi32, #tpu.memory_space<vmem>>
      %dma_start3A_367 = arith.constant 0 : i32
      %dma_start3A_368 = arith.constant 0 : i32
      %dma_start3A_369 = tpu.memref_slice %arg2[%dma_start3A_367, %dma_start3A_368] : memref<100000x64xf32, #tpu.memory_space<hbm>> -> memref<100000x64xf32, #tpu.memory_space<hbm>>
      tpu.enqueue_indirect_dma source(%dma_start3A_369 : memref<100000x64xf32, #tpu.memory_space<hbm>>) target(%dma_start3A_363 : memref<128x64xf32, #tpu.memory_space<vmem>>) offsets(%dma_start3A_366 : memref<128xi32, #tpu.memory_space<vmem>>) semaphore(%arg8 : memref<!tpu.dma_semaphore, #tpu.memory_space<semaphore_mem>>)
      %scan3A_370 = arith.constant 0 : i32
      scf.yield %scan3A_370 : i32
    }
    %scan3A_93 = arith.constant 4 : i32
    %dma_wait3A_94 = arith.constant 18 : i32
    %dma_wait3A_95 = arith.constant 1 : i32
    %dma_wait3A_96 = arith.constant 0 : i32
    %dma_wait3A_97 = arith.constant 0 : i32
    %dma_wait3A_98 = tpu.memref_slice %arg6[%dma_wait3A_95, %dma_wait3A_96, %dma_wait3A_97] : memref<2x256x64xf32, #tpu.memory_space<vmem>> -> memref<1x128x64xf32, #tpu.memory_space<vmem>>
    %dma_wait3A_99 = tpu.memref_squeeze %dma_wait3A_98 : memref<1x128x64xf32, #tpu.memory_space<vmem>> -> memref<128x64xf32, #tpu.memory_space<vmem>>
    %dma_wait3A_100 = arith.constant 0 : i32
    %dma_wait3A_101 = tpu.memref_slice %arg5[%dma_wait3A_94, %dma_wait3A_100] : memref<20x128xi32, #tpu.memory_space<vmem>> -> memref<1x128xi32, #tpu.memory_space<vmem>>
    %dma_wait3A_102 = tpu.memref_squeeze %dma_wait3A_101 : memref<1x128xi32, #tpu.memory_space<vmem>> -> memref<128xi32, #tpu.memory_space<vmem>>
    %dma_wait3A_103 = arith.constant 0 : i32
    %dma_wait3A_104 = arith.constant 0 : i32
    %dma_wait3A_105 = tpu.memref_slice %arg2[%dma_wait3A_103, %dma_wait3A_104] : memref<100000x64xf32, #tpu.memory_space<hbm>> -> memref<100000x64xf32, #tpu.memory_space<hbm>>
    tpu.wait_indirect_dma semaphore(%arg8 : memref<!tpu.dma_semaphore, #tpu.memory_space<semaphore_mem>>) src(%dma_wait3A_105 : memref<100000x64xf32, #tpu.memory_space<hbm>>) dst(%dma_wait3A_99 : memref<128x64xf32, #tpu.memory_space<vmem>>)
    %dma_wait3A_106 = arith.constant 19 : i32
    %dma_wait3A_107 = arith.constant 1 : i32
    %dma_wait3A_108 = arith.constant 128 : i32
    %dma_wait3A_109 = arith.constant 0 : i32
    %dma_wait3A_110 = tpu.memref_slice %arg6[%dma_wait3A_107, %dma_wait3A_108, %dma_wait3A_109] : memref<2x256x64xf32, #tpu.memory_space<vmem>> -> memref<1x128x64xf32, #tpu.memory_space<vmem>>
    %dma_wait3A_111 = tpu.memref_squeeze %dma_wait3A_110 : memref<1x128x64xf32, #tpu.memory_space<vmem>> -> memref<128x64xf32, #tpu.memory_space<vmem>>
    %dma_wait3A_112 = arith.constant 0 : i32
    %dma_wait3A_113 = tpu.memref_slice %arg5[%dma_wait3A_106, %dma_wait3A_112] : memref<20x128xi32, #tpu.memory_space<vmem>> -> memref<1x128xi32, #tpu.memory_space<vmem>>
    %dma_wait3A_114 = tpu.memref_squeeze %dma_wait3A_113 : memref<1x128xi32, #tpu.memory_space<vmem>> -> memref<128xi32, #tpu.memory_space<vmem>>
    %dma_wait3A_115 = arith.constant 0 : i32
    %dma_wait3A_116 = arith.constant 0 : i32
    %dma_wait3A_117 = tpu.memref_slice %arg2[%dma_wait3A_115, %dma_wait3A_116] : memref<100000x64xf32, #tpu.memory_space<hbm>> -> memref<100000x64xf32, #tpu.memory_space<hbm>>
    tpu.wait_indirect_dma semaphore(%arg8 : memref<!tpu.dma_semaphore, #tpu.memory_space<semaphore_mem>>) src(%dma_wait3A_117 : memref<100000x64xf32, #tpu.memory_space<hbm>>) dst(%dma_wait3A_111 : memref<128x64xf32, #tpu.memory_space<vmem>>)
    %add3A_118 = arith.constant 2304 : i32
    %add3A_119 = arith.addi %mul3A_2, %add3A_118 : i32
    %dma_start3A_120 = arith.constant 1 : i32
    %dma_start3A_121 = arith.constant 0 : i32
    %dma_start3A_122 = arith.constant 0 : i32
    %dma_start3A_123 = tpu.memref_slice %arg6[%dma_start3A_120, %dma_start3A_121, %dma_start3A_122] : memref<2x256x64xf32, #tpu.memory_space<vmem>> -> memref<1x256x64xf32, #tpu.memory_space<vmem>>
    %dma_start3A_124 = tpu.memref_squeeze %dma_start3A_123 : memref<1x256x64xf32, #tpu.memory_space<vmem>> -> memref<256x64xf32, #tpu.memory_space<vmem>>
    %dma_start3A_125 = arith.constant 0 : i32
    %dma_start3A_126 = tpu.memref_slice %arg4[%add3A_119, %dma_start3A_125] : memref<81920x64xf32, #tpu.memory_space<hbm>> -> memref<256x64xf32, #tpu.memory_space<hbm>>
    %dma_start3A_127 = arith.constant 0 : i32
    %dma_start3A_128 = tpu.memref_slice %arg4[%add3A_119, %dma_start3A_127] : memref<81920x64xf32, #tpu.memory_space<hbm>> -> memref<256x64xf32, #tpu.memory_space<hbm>>
    %dma_start3A_129 = arith.constant 0 : i32
    %dma_start3A_130 = arith.constant 0 : i32
    %dma_start3A_131 = tpu.memref_slice %arg6[%dma_start3A_120, %dma_start3A_129, %dma_start3A_130] : memref<2x256x64xf32, #tpu.memory_space<vmem>> -> memref<1x256x64xf32, #tpu.memory_space<vmem>>
    %dma_start3A_132 = tpu.memref_squeeze %dma_start3A_131 : memref<1x256x64xf32, #tpu.memory_space<vmem>> -> memref<256x64xf32, #tpu.memory_space<vmem>>
    tpu.enqueue_dma source(%dma_start3A_132 : memref<256x64xf32, #tpu.memory_space<vmem>>) target(%dma_start3A_128 : memref<256x64xf32, #tpu.memory_space<hbm>>) target_semaphore(%arg10 : memref<!tpu.dma_semaphore, #tpu.memory_space<semaphore_mem>>)
    %add3A_133 = arith.constant 2048 : i32
    %add3A_134 = arith.addi %mul3A_2, %add3A_133 : i32
    %dma_wait3A_135 = arith.constant 0 : i32
    %dma_wait3A_136 = arith.constant 0 : i32
    %dma_wait3A_137 = arith.constant 0 : i32
    %dma_wait3A_138 = tpu.memref_slice %arg6[%dma_wait3A_135, %dma_wait3A_136, %dma_wait3A_137] : memref<2x256x64xf32, #tpu.memory_space<vmem>> -> memref<1x256x64xf32, #tpu.memory_space<vmem>>
    %dma_wait3A_139 = tpu.memref_squeeze %dma_wait3A_138 : memref<1x256x64xf32, #tpu.memory_space<vmem>> -> memref<256x64xf32, #tpu.memory_space<vmem>>
    %dma_wait3A_140 = arith.constant 0 : i32
    %dma_wait3A_141 = tpu.memref_slice %arg4[%add3A_134, %dma_wait3A_140] : memref<81920x64xf32, #tpu.memory_space<hbm>> -> memref<256x64xf32, #tpu.memory_space<hbm>>
    %dma_wait3A_142 = arith.constant 0 : i32
    %dma_wait3A_143 = tpu.memref_slice %arg4[%add3A_134, %dma_wait3A_142] : memref<81920x64xf32, #tpu.memory_space<hbm>> -> memref<256x64xf32, #tpu.memory_space<hbm>>
    %dma_wait3A_144 = arith.constant 0 : i32
    %dma_wait3A_145 = arith.constant 0 : i32
    %dma_wait3A_146 = tpu.memref_slice %arg6[%dma_wait3A_135, %dma_wait3A_144, %dma_wait3A_145] : memref<2x256x64xf32, #tpu.memory_space<vmem>> -> memref<1x256x64xf32, #tpu.memory_space<vmem>>
    %dma_wait3A_147 = tpu.memref_squeeze %dma_wait3A_146 : memref<1x256x64xf32, #tpu.memory_space<vmem>> -> memref<256x64xf32, #tpu.memory_space<vmem>>
    tpu.wait_dma2 semaphore(%arg9 : memref<!tpu.dma_semaphore, #tpu.memory_space<semaphore_mem>>) src(%dma_wait3A_147 : memref<256x64xf32, #tpu.memory_space<vmem>>) dst(%dma_wait3A_143 : memref<256x64xf32, #tpu.memory_space<hbm>>)
    %add3A_148 = arith.constant 2304 : i32
    %add3A_149 = arith.addi %mul3A_2, %add3A_148 : i32
    %dma_wait3A_150 = arith.constant 1 : i32
    %dma_wait3A_151 = arith.constant 0 : i32
    %dma_wait3A_152 = arith.constant 0 : i32
    %dma_wait3A_153 = tpu.memref_slice %arg6[%dma_wait3A_150, %dma_wait3A_151, %dma_wait3A_152] : memref<2x256x64xf32, #tpu.memory_space<vmem>> -> memref<1x256x64xf32, #tpu.memory_space<vmem>>
    %dma_wait3A_154 = tpu.memref_squeeze %dma_wait3A_153 : memref<1x256x64xf32, #tpu.memory_space<vmem>> -> memref<256x64xf32, #tpu.memory_space<vmem>>
    %dma_wait3A_155 = arith.constant 0 : i32
    %dma_wait3A_156 = tpu.memref_slice %arg4[%add3A_149, %dma_wait3A_155] : memref<81920x64xf32, #tpu.memory_space<hbm>> -> memref<256x64xf32, #tpu.memory_space<hbm>>
    %dma_wait3A_157 = arith.constant 0 : i32
    %dma_wait3A_158 = tpu.memref_slice %arg4[%add3A_149, %dma_wait3A_157] : memref<81920x64xf32, #tpu.memory_space<hbm>> -> memref<256x64xf32, #tpu.memory_space<hbm>>
    %dma_wait3A_159 = arith.constant 0 : i32
    %dma_wait3A_160 = arith.constant 0 : i32
    %dma_wait3A_161 = tpu.memref_slice %arg6[%dma_wait3A_150, %dma_wait3A_159, %dma_wait3A_160] : memref<2x256x64xf32, #tpu.memory_space<vmem>> -> memref<1x256x64xf32, #tpu.memory_space<vmem>>
    %dma_wait3A_162 = tpu.memref_squeeze %dma_wait3A_161 : memref<1x256x64xf32, #tpu.memory_space<vmem>> -> memref<256x64xf32, #tpu.memory_space<vmem>>
    tpu.wait_dma2 semaphore(%arg10 : memref<!tpu.dma_semaphore, #tpu.memory_space<semaphore_mem>>) src(%dma_wait3A_162 : memref<256x64xf32, #tpu.memory_space<vmem>>) dst(%dma_wait3A_158 : memref<256x64xf32, #tpu.memory_space<hbm>>)
    return
  }
}

</mosaic_0001>

<sc_bundles>
// kernel: kernel.4.cloned.1.call-start
scs
__scs_entry_jumppad:
0x0: {  	(pc) =	sbr.rel $0x88, $3  }
0x1: {  	(tag) =	ssettag $0x0;
	lr =	simm.s32 $0x1  }
0x2: {  	[smem:$0x3F9E] =	sst lr;
	_ =	strace $0xD0000000  }
0x3: {  	_ = 	snop  }
0x4: {  	_ = 	snop  }
0x5: {  	_ = 	snop  }
0x6: {  	_ = 	snop  }
0x7: {  	_ = 	snop  }
__scs_overlays_trampoline_lowered:
0x8: {  	[smem:$0x3FAD] =	sst s0  }
0x9: {  	[smem:$0x3FAE] =	sst s1  }
0xa: {  	[smem:$0x3FAF] =	sst s2  }
0xb: {  	[smem:$0x3FB0] =	sst s3  }
0xc: {  	[smem:$0x3FB1] =	sst s4  }
0xd: {  	[smem:$0x3FB2] =	sst s5  }
0xe: {  	[smem:$0x3FB3] =	sst s6  }
0xf: {  	[smem:$0x3FB4] =	sst s7  }
0x10: {  	[smem:$0x3FB5] =	sst s8  }
0x11: {  	[smem:$0x3FB6] =	sst s9;
	s0 =	simm.s32 @!p0 $0x0  }
0x12: {  	s1 =	sld [smem:$0x3F9C];
	s0 =	simm.s32 @p0 $0x1  }
0x13: {  	[smem:$0x3FB7] =	sst s0;
	s0 =	simm.s32 @!p1 $0x0  }
0x14: {  	s2 =	sld [smem:$0x3F9B];
	s0 =	simm.s32 @p1 $0x1  }
0x15: {  	[smem:$0x3FB8] =	sst s0;
	s0 =	simm.s32 @!p2 $0x0  }
0x16: {  	s3 =	sld [smem:$0x3FDB];
	s0 =	simm.s32 @p2 $0x1  }
0x17: {  	s4 =	simm.s32 $0x1BF5;
	[smem:$0x3FBA] =	sst s0  }
0x18: {  	s0 =	sld [smem:$0x3F9D];
	_ =	swait.ge [sflag:s4], $0x0  }
0x19: {  	s7 =	sld [smem:$0x3F9E]  }
0x1a: {  	s8 =	sadd.s32 $0xFFFFE003, lr  }
0x1b: {  	s9 =	sadd.s32 $0xFFFFFEF7, lr;
	s5 =	simm.s32 $0xFFFFFFFF;
	p2 =	slt.u32 s8, $0xFFFFF086  }
0x1c: {  	p1 =	slt.u32 s9, $0xF7A;
	s5 =	simm.s32 @!p2 $0x0  }
0x1d: {  	s5 =	simm.s32 @p1 $0x1;
	p0 =	seq.s32 s7, s2  }
0x1e: {  	s7 =	smul.u32 @!p0 $0xF7A, s2;
	p2 =	seq.s32 @!p0 s5, $0x0  }
0x1f: {  	s9 =	smul.u32 $0xF7A, s1;
	s8 =	simm.s32 @!p0 $0x1BF5;
	p2 =	por !p2, p0  }
0x20: {  	[sflag:s8] =	ssyncset.s32 @!p0 $0xFFFFF086;
	s6 =	sadd.s32 @!p0 s3, s7;
	s7 =	simm.s32 @!p0 $0x108  }
0x21: {  	s3 =	sadd.s32 s3, s9;
	s6 =	sadd.s32 @!p0 $0x88, s6;
	s7 =	simm.s32 @p2 $0x1082  }
0x22: {  	[simem:s7], [sflag:s8] =	dma.local @!p0 [hbm:s6], $0xF7A  }
0x23: {  	s9 =	sor.u32 $0xD0000000, s2;
	s6 =	simm.s32 $0x108;
	_ =	swait.ge @!p0 [sflag:s8], $0x0  }
0x24: {  	s3 =	sadd.s32 $0x88, s3;
	s6 =	simm.s32 @!p1 $0x1082;
	[sflag:s4] =	ssyncset.s32 $0xFFFFF086  }
0x25: {  	[simem:s6], [sflag:s4] =	dma.local [hbm:s3], $0xF7A  }
0x26: {  	[smem:$0x3F9E] =	sst s1;
	(tag) =	ssettag s2;
	_ =	strace s9  }
0x27: {  	s1 =	sld [smem:$0x3FAE]  }
0x28: {  	s2 =	sld [smem:$0x3FAF]  }
0x29: {  	s4 =	sld [smem:$0x3FB1]  }
0x2a: {  	p0 =	seq.s32 s5, $0x0;
	s5 =	sld [smem:$0x3FB2]  }
0x2b: {  	s6 =	sld [smem:$0x3FB3]  }
0x2c: {  	s7 =	sld [smem:$0x3FB4]  }
0x2d: {  	s3 =	simm.s32 $0x108;
	s8 =	sld [smem:$0x3FB5]  }
0x2e: {  	s3 =	simm.s32 @!p0 $0x1082;
	s9 =	sld [smem:$0x3FB6]  }
0x2f: {  	lr =	sadd.s32 s0, s3;
	s0 =	sld [smem:$0x3FAD]  }
0x30: {  	s3 =	sld [smem:$0x3FB0]  }
0x31: {  	[smem:$0x3FB9] =	sst s10  }
0x32: {  	s10 =	sld [smem:$0x3FB7];
	_ =	sdelay $0x3  }
0x33: {  	p0 =	seq.s32 s10, $0x1;
	s10 =	sld [smem:$0x3FB9];
	_ =	sdelay $0x3  }
0x34: {  	[smem:$0x3FB9] =	sst s10  }
0x35: {  	s10 =	sld [smem:$0x3FB8];
	_ =	sdelay $0x3  }
0x36: {  	p1 =	seq.s32 s10, $0x1;
	s10 =	sld [smem:$0x3FB9];
	_ =	sdelay $0x3  }
0x37: {  	[smem:$0x3FB9] =	sst s10  }
0x38: {  	s10 =	sld [smem:$0x3FBA]  }
0x39: {  	_ = 	snop;
	(pc) =	sbr.ind lr, $3  }
0x3a: {  	_ = 	snop  }
0x3b: {  	_ = 	snop  }
0x3c: {  	p2 =	seq.s32 s10, $0x1;
	s10 =	sld [smem:$0x3FB9]  }
0x3d: {  	_ =	shalt  }
0x3e: {  	_ =	shalt  }
0x3f: {  	_ =	shalt  }
0x40: {  	_ =	shalt  }
0x41: {  	_ =	shalt  }
0x42: {  	_ =	shalt  }
0x43: {  	_ =	shalt  }
0x44: {  	_ =	shalt  }
0x45: {  	_ =	shalt  }
0x46: {  	_ =	shalt  }
0x47: {  	_ =	shalt  }
0x48: {  	_ =	shalt  }
0x49: {  	_ =	shalt  }
0x4a: {  	_ =	shalt  }
0x4b: {  	_ =	shalt  }
0x4c: {  	_ =	shalt  }
0x4d: {  	_ =	shalt  }
0x4e: {  	_ =	shalt  }
0x4f: {  	_ =	shalt  }
0x50: {  	_ =	shalt  }
0x51: {  	_ =	shalt  }
0x52: {  	_ =	shalt  }
0x53: {  	_ =	shalt  }
0x54: {  	_ =	shalt  }
0x55: {  	_ =	shalt  }
0x56: {  	_ =	shalt  }
0x57: {  	_ =	shalt  }
0x58: {  	_ =	shalt  }
0x59: {  	_ =	shalt  }
0x5a: {  	_ =	shalt  }
0x5b: {  	_ =	shalt  }
0x5c: {  	_ =	shalt  }
0x5d: {  	_ =	shalt  }
0x5e: {  	_ =	shalt  }
0x5f: {  	_ =	shalt  }
0x60: {  	_ =	shalt  }
0x61: {  	_ =	shalt  }
0x62: {  	_ =	shalt  }
0x63: {  	_ =	shalt  }
0x64: {  	_ =	shalt  }
0x65: {  	_ =	shalt  }
0x66: {  	_ =	shalt  }
0x67: {  	_ =	shalt  }
0x68: {  	_ =	shalt  }
0x69: {  	_ =	shalt  }
0x6a: {  	_ =	shalt  }
0x6b: {  	_ =	shalt  }
0x6c: {  	_ =	shalt  }
0x6d: {  	_ =	shalt  }
0x6e: {  	_ =	shalt  }
0x6f: {  	_ =	shalt  }
0x70: {  	_ =	shalt  }
0x71: {  	_ =	shalt  }
0x72: {  	_ =	shalt  }
0x73: {  	_ =	shalt  }
0x74: {  	_ =	shalt  }
0x75: {  	_ =	shalt  }
0x76: {  	_ =	shalt  }
0x77: {  	_ =	shalt  }
0x78: {  	_ =	shalt  }
0x79: {  	_ =	shalt  }
0x7a: {  	_ =	shalt  }
0x7b: {  	_ =	shalt  }
0x7c: {  	_ =	shalt  }
0x7d: {  	_ =	shalt  }
0x7e: {  	_ =	shalt  }
0x7f: {  	_ =	shalt  }
0x80: {  	_ =	shalt  }
0x81: {  	_ =	shalt  }
0x82: {  	_ =	shalt  }
0x83: {  	_ =	shalt  }
0x84: {  	_ =	shalt  }
0x85: {  	_ =	shalt  }
0x86: {  	_ =	shalt  }
0x87: {  	_ =	shalt  }
.Lfunc_end0:
.L_simem_size_0:
called_computation.1_lowered:
.L_overlay_start_0:
0x88: {  	s2 =	sld [smem:$0x3FD9]  }
0x89: {  	s3 =	sld [smem:$0x3FFE];
	_ =	sdelay $0x1  }
0x8a: {  	s1 =	srdreg.scid  }
0x8b: {  	s0 =	sand.u32 $0x1, s1  }
0x8c: {  	s15 =	sshll.u32 s0, $0xA;
	s2 =	sadd.s32 s3, s2  }
0x8d: {  	s2 =	sadd.s32 s2, s15  }
0x8e: {  	[smem:$0x3FC5] =	sst s2  }
0x8f: {  	_ = 	snop  }
0x90: {  	s2 =	sld [smem:$0x3FD0];
	_ =	sdelay $0x2  }
0x91: {  	s16 =	simm.s32 $0xB;
	s4 =	simm.s32 $0x10  }
0x92: {  	[smem:s4], [sflag:s16] =	dma.local [hbm:s2], $0x1  }
0x93: {  	_ =	swait.eq [sflag:s16], $0x1  }
0x94: {  	[sflag:s16] =	ssyncset.done $0x0  }
0x95: {  	[sflag:s16] =	ssyncadd.s32 $0xFFFFFFFF  }
0x96: {  	s17 =	sld [smem:$0x11];
	(tm) =	ssettm $0x1  }
0x97: {  	s18 =	sld [smem:$0x3FFB];
	_ =	sdelay $0x3  }
0x98: {  	_ =	strace s18  }
0x99: {  	s2 =	sld [smem:$0x3FFC];
	_ =	sdelay $0x3  }
0x9a: {  	_ =	strace s2  }
0x9b: {  	s2 =	sld [smem:$0x3FFD];
	_ =	sdelay $0x3  }
0x9c: {  	_ =	strace s2  }
0x9d: {  	_ =	strace $0x8FFFFFFF  }
0x9e: {  	s19 =	sld [smem:$0x3FDB];
	_ =	sdelay $0x1  }
0x9f: {  	s20 =	simm.s32 $_scs_section_size  }
0xa0: {  	s5 =	simm.s32 $_size__tile_overlayer_lowered;
	s6 =	simm.s32 $_tile_overlayer_lowered  }
0xa1: {  	s7 =	simm.s32 $0x1BFF;
	s21 =	sshll.u32 s6, $0x1;
	s4 =	sadd.s32 s20, s19  }
0xa2: {  	s22 =	simm.s32 $0x0;
	s5 =	sshll.u32 s5, $0x1;
	s6 =	sadd.s32 s21, s4  }
0xa3: {  	[timem:s22], [sflag:s7] =	dma.local [hbm:s6], s5  }
0xa4: {  	_ =	swait.ge [sflag:s7], s5  }
0xa5: {  	s5 =	ssub.s32 $0x0, s5;
	[sflag:s7] =	ssyncset.done $0x0  }
0xa6: {  	[sflag:s7] =	ssyncadd.s32 s5;
	_ =	sdelay $0x1  }
0xa7: {  	s23 =	simm.s32 $0x1B8B  }
0xa8: {  	_ =	swait.ge [sflag:s23], $0x1  }
0xa9: {  	[sflag:s23] =	ssyncset.done $0x0  }
0xaa: {  	[sflag:s23] =	ssyncadd.s32 $0xFFFFFFFF  }
0xab: {  	s5 =	sld [smem:$0x0]  }
0xac: {  	s6 =	sand.u32 $0xFFFFFFFE, s1  }
0xad: {  	p0 =	sne.s32 s1, s6  }
0xae: {  	s6 =	sshll.u32 @p0 s6, $0xE  }
0xaf: {  	s6 =	sadd.s32 @p0 $0x11B8D, s6;
	s7 =	sshll.u32 @p0 s5, $0x11  }
0xb0: {  	s6 =	sor.u32 @p0 s7, s6  }
0xb1: {  	[sflag:s6] =	ssyncadd.remote.s32 @p0 $0x1;
	_ =	sdelay $0x1  }
0xb2: {  	s6 =	simm.s32 @p0 $0x1B8D  }
0xb3: {  	_ =	swait.eq @p0 [sflag:s6], $0x1  }
0xb4: {  	[sflag:s6] =	ssyncadd.s32 @p0 $0xFFFFFFFF  }
0xb5: {  	s7 =	sshll.u32 @!p0 s1, $0xE  }
0xb6: {  	s7 =	sor.u32 @!p0 $0x4000, s7;
	s6 =	simm.s32 @!p0 $0x1B8D  }
0xb7: {  	s5 =	sshll.u32 @!p0 s5, $0x11;
	s7 =	sadd.s32 @!p0 $0x11B8D, s7;
	_ =	swait.eq @!p0 [sflag:s6], $0x1  }
0xb8: {  	s5 =	sor.u32 @!p0 s5, s7;
	[sflag:s6] =	ssyncadd.s32 @!p0 $0xFFFFFFFF  }
0xb9: {  	s25 =	simm.s32 $0x1B8E;
	s24 =	sld [smem:$0x3FFE];
	[sflag:s5] =	ssyncadd.remote.s32 @!p0 $0x1  }
0xba: {  	s26 =	simm.s32 $execute0_lowered;
	[smem:$0x3FD2] =	sst s25  }
0xbb: {  	s6 =	sshll.u32 s26, $0x1;
	_ =	strace $0x80000049;
	[dreg:$0x1] =	wrdreg $0xFFFFFFFF  }
0xbc: {  	s28 =	simm.s32 $_size_execute0_lowered;
	s4 =	sadd.s32 s4, s6;
	[dreg:$0x0] =	wrdreg $0x0  }
0xbd: {  	s6 =	sshll.u32 s28, $0x1;
	[dreg:$0x2] =	wrdreg s4  }
0xbe: {  	[dreg:$0x3] =	wrdreg s6  }
0xbf: {  	[dreg:$0x4] =	wrdreg $0xC0  }
0xc0: {  	_ =	task [dreg:s22], $0x5FFFF  }
0xc1: {  	[dreg:$0x1] =	wrdreg $0xFFFFFFFF  }
0xc2: {  	[dreg:$0x0] =	wrdreg $0x60  }
0xc3: {  	[dreg:$0x2] =	wrdreg s24  }
0xc4: {  	[dreg:$0x3] =	wrdreg s17  }
0xc5: {  	[dreg:$0x4] =	wrdreg $0x9  }
0xc6: {  	_ =	task.clear_ibuf [dreg:s22], $0x5FFFF;
	_ =	strace $0x90000049  }
0xc7: {  	s29 =	simm.s32 $0x9;
	_ =	strace $0x8000004B  }
0xc8: {  	_ =	swait.ge [sflag:s29], $0x1  }
0xc9: {  	[sflag:s29] =	ssyncadd.s32 $0xFFFFFFFF  }
0xca: {  	_ =	strace $0x9000004B  }
0xcb: {  	_ =	sfence  }
0xcc: {  	s30 =	sld [smem:$0x0];
	_ =	sdelay $0x2  }
0xcd: {  	s31 =	sshll.u32 s1, $0xD;
	s1 =	sshrl.u32 s1, $0x2  }
0xce: {  	s4 =	sand.u32 $0x4000, s31;
	s1 =	sadd.s32 s1, s30  }
0xcf: {  	s0 =	sor.u32 s4, s0;
	s1 =	sshll.u32 s1, $0x11  }
0xd0: {  	s0 =	sor.u32 s1, s0  }
0xd1: {  	s0 =	sadd.s32 $0x8F2B, s0  }
0xd2: {  	[sflag:s0] =	ssyncadd.remote.s32 $0x1  }
0xd3: {  	_ =	sfence.sel $0xFFFF  }
0xd4: {  	[dreg:$0x0] =	wrdreg $0xFFFFFFFF;
	(pc) =	sbr.abs _section_cstart, $3  }
0xd5: {  	[dreg:$0x1] =	wrdreg $0xFFFFFFFF  }
0xd6: {  	_ =	task.clear_ibuf [dreg:s22], $0x2FFFF;
	_ =	strace $0x9FFFFFFF  }
0xd7: {  	(tm) =	ssettm $0x7FFFFFFF  }
tec
execute0_lowered:
.L_overlay_start_1:
0x0: {  	(tag) =	ssettag $0x1  }
0x1: {  	s0 =	srdreg.scid;
	s3 =	rddreg [dreg:$0x0]  }
0x2: {  	s13 =	stileid.u32;
	s4 =	rddreg [dreg:$0x1]  }
0x3: {  	s2 =	simm.s32 $0x0;
	s31 =	simm.s32 $0x5;
	s9 =	simm.s32 $0xA00  }
0x4: {  	s25 =	simm.s32 $0x100;
	s12 =	simm.s32 $0x2A00;
	s26 =	simm.s32 $0x180  }
0x5: {  	s10 =	simm.s32 $0x6A00;
	s11 =	simm.s32 $0x1;
	s8 =	simm.s32 $0x2  }
0x6: {  	s30 =	simm.s32 $0x280;
	s7 =	simm.s32 $0x4;
	s28 =	simm.s32 $0x300  }
0x7: {  	s29 =	simm.s32 $0x380;
	s0 =	sand.u32 $0x1, s0;
	s1 =	sshll.u32 s13, $0x1  }
0x8: {  	p0 =	por $0x0, $0x0;
	[smem:$0x7FF] =	sst s2;
	s1 =	sor.u32 s0, s1  }
0x9: {  	_ =	strace $0x8000004A;
	[dreg:$0xd] =	wrdreg s25;
	s5 =	smul.u32 $0x140, s1  }
0xa: {  	s0 =	ssub.s32 $0x2, s0;
	[dreg:$0xe] =	wrdreg s26;
	s6 =	smul.u32 $0x28000, s1  }
0xb: {  	s25 =	simm.s32 $0x400;
	s1 =	smul.u32 $0x5000, s1;
	s21 =	sshrl.u32 s0, $0x1  }
0xc: {  	s26 =	simm.s32 $0x480;
	s0 =	ssub.s32 s0, s21;
	s21 =	simm.s32 $0x680  }
0xd: {  	s5 =	sadd.s32 s5, s3;
	s6 =	sshrl.u32 s6, $0x3;
	s23 =	sadd.s32 s4, s1  }
0xe: {  	s3 =	sadd.s32 $0x19E00, s3;
	s0 =	smax.u32 s0, $0x1;
	s5 =	sadd.s32 $0xDD400, s5  }
0xf: {  	s6 =	sadd.s32 s4, s6;
	s15 =	sadd.s32 $0x800, s23;
	[dreg:$0x3] =	wrdreg s5  }
0x10: {  	s17 =	sadd.s32 $0x1800, s23;
	s19 =	sadd.s32 $0x2800, s23;
	[dreg:$0x5] =	wrdreg s15  }
0x11: {  	s22 =	sadd.s32 $0x3800, s23;
	s4 =	simm.s32 $0x4A00;
	[dreg:$0x7] =	wrdreg s17  }
0x12: {  	p1 =	sne.s32 s0, $0x1;
	s1 =	sadd.s32 $0xFFFFFFFF, s0;
	[dreg:$0x9] =	wrdreg s19  }
0x13: {  	s14 =	sadd.s32 $0x4800, s6;
	s16 =	sadd.s32 $0x1000, s6;
	[dreg:$0xb] =	wrdreg s22  }
0x14: {  	s18 =	sadd.s32 $0x2000, s6;
	s20 =	sadd.s32 $0x3000, s6;
	[dreg:$0x4] =	wrdreg s14  }
0x15: {  	s24 =	sadd.s32 $0x4000, s6;
	s5 =	simm.s32 $0x80;
	[dreg:$0x6] =	wrdreg s16  }
.Ltmp0:
0x16: {  	s6 =	simm.s32 $0x3;
	[dreg:$0x8] =	wrdreg s18;
	(pc) =	sbr.rel @!p1 .LBB2_1-.Ltmp0, $4  }
0x17: {  	s22 =	simm.s32 $0x500;
	s19 =	simm.s32 $0x780;
	[dreg:$0xa] =	wrdreg s20  }
0x18: {  	s17 =	simm.s32 $0x880;
	s15 =	simm.s32 $0x980;
	[dreg:$0xc] =	wrdreg s24  }
0x19: {  	s24 =	simm.s32 $0x580;
	s20 =	simm.s32 $0x600;
	s18 =	simm.s32 $0x700  }
0x1a: {  	s16 =	simm.s32 $0x800;
	s14 =	simm.s32 $0x900;
	s0 =	rddreg [dreg:$0x3]  }
0x1b: {  	[tilespmem:s2], [sflag:$0x5] =	stream.linear.gather [hbm4b:s0+s2], $0xA00, $0x38;
	[tilespmem:$0x8A00] =	vst v63  }
0x1c: {  	_ =	swait.ge [sflag:s31], $0xA00  }
0x1d: {  	[sflag:s31] =	ssyncset.done $0x0  }
0x1e: {  	[sflag:s31] =	ssyncadd.s32 $0xFFFFF600  }
0x1f: {  	[tilespmem:s9], [sflag:$0x1] =	stream.indirect.gather [hbm4b:s3+s5], $0x40, s2, s5, $0xb8;
	[tilespmem:$0x8A00] =	vst v63  }
0x20: {  	_ = 	snop  }
0x21: {  	[tilespmem:s12], [sflag:$0x1] =	stream.indirect.gather [hbm4b:s3+s5], $0x40, s5, s5, $0xb8;
	[tilespmem:$0x8A00] =	vst v63  }
0x22: {  	s0 =	rddreg [dreg:$0xd]  }
0x23: {  	[tilespmem:s4], [sflag:$0x2] =	stream.indirect.gather [hbm4b:s3+s5], $0x40, s0, s5, $0xb8;
	[tilespmem:$0x8A00] =	vst v63  }
0x24: {  	s13 =	smov.u32 s1;
	s1 =	rddreg [dreg:$0xe]  }
0x25: {  	[tilespmem:s10], [sflag:$0x2] =	stream.indirect.gather [hbm4b:s3+s5], $0x40, s1, s5, $0xb8;
	[tilespmem:$0x8A00] =	vst v63  }
0x26: {  	_ =	swait.ge [sflag:s11], $0x2000  }
0x27: {  	[sflag:s11] =	ssyncset.done $0x0  }
0x28: {  	[sflag:s11] =	ssyncadd.s32 $0xFFFFE000  }
0x29: {  	_ =	swait.ge [sflag:s11], $0x2000  }
0x2a: {  	[sflag:s11] =	ssyncset.done $0x0  }
0x2b: {  	[sflag:s11] =	ssyncadd.s32 $0xFFFFE000  }
0x2c: {  	[hbm4b:s23+s2] =	stream.linear.scatter [tilespmem:s9], [sflag:$0x3], $0x4000, $0x38;
	[tilespmem:$0x8A00] =	vst v63  }
0x2d: {  	_ =	swait.ge [sflag:s8], $0x2000  }
0x2e: {  	[sflag:s8] =	ssyncset.done $0x0  }
0x2f: {  	[sflag:s8] =	ssyncadd.s32 $0xFFFFE000  }
0x30: {  	_ =	swait.ge [sflag:s8], $0x2000  }
0x31: {  	[sflag:s8] =	ssyncset.done $0x0  }
0x32: {  	s1 =	rddreg [dreg:$0x5];
	[sflag:s8] =	ssyncadd.s32 $0xFFFFE000  }
0x33: {  	[hbm4b:s1+s2] =	stream.linear.scatter [tilespmem:s4], [sflag:$0x4], $0x4000, $0x38;
	[tilespmem:$0x8A00] =	vst v63  }
0x34: {  	_ =	swait.ge [sflag:s6], $0x4000  }
0x35: {  	[sflag:s6] =	ssyncset.done $0x0  }
0x36: {  	s1 =	simm.s32 $0x200;
	[sflag:s6] =	ssyncadd.s32 $0xFFFFC000  }
0x37: {  	[tilespmem:s9], [sflag:$0x1] =	stream.indirect.gather [hbm4b:s3+s5], $0x40, s1, s5, $0xb8;
	[tilespmem:$0x8A00] =	vst v63  }
0x38: {  	_ = 	snop  }
0x39: {  	[tilespmem:s12], [sflag:$0x1] =	stream.indirect.gather [hbm4b:s3+s5], $0x40, s30, s5, $0xb8;
	[tilespmem:$0x8A00] =	vst v63  }
0x3a: {  	_ =	swait.ge [sflag:s11], $0x2000  }
0x3b: {  	[sflag:s11] =	ssyncset.done $0x0  }
0x3c: {  	[sflag:s11] =	ssyncadd.s32 $0xFFFFE000  }
0x3d: {  	_ =	swait.ge [sflag:s11], $0x2000  }
0x3e: {  	[sflag:s11] =	ssyncset.done $0x0  }
0x3f: {  	s1 =	rddreg [dreg:$0x6];
	[sflag:s11] =	ssyncadd.s32 $0xFFFFE000  }
0x40: {  	[hbm4b:s1+s2] =	stream.linear.scatter [tilespmem:s9], [sflag:$0x3], $0x4000, $0x38;
	[tilespmem:$0x8A00] =	vst v63  }
0x41: {  	_ =	swait.ge [sflag:s7], $0x4000  }
0x42: {  	[sflag:s7] =	ssyncset.done $0x0  }
0x43: {  	[sflag:s7] =	ssyncadd.s32 $0xFFFFC000  }
0x44: {  	[tilespmem:s4], [sflag:$0x2] =	stream.indirect.gather [hbm4b:s3+s5], $0x40, s28, s5, $0xb8;
	[tilespmem:$0x8A00] =	vst v63  }
0x45: {  	_ = 	snop  }
0x46: {  	[tilespmem:s10], [sflag:$0x2] =	stream.indirect.gather [hbm4b:s3+s5], $0x40, s29, s5, $0xb8;
	[tilespmem:$0x8A00] =	vst v63  }
0x47: {  	_ =	swait.ge [sflag:s8], $0x2000  }
0x48: {  	[sflag:s8] =	ssyncset.done $0x0  }
0x49: {  	[sflag:s8] =	ssyncadd.s32 $0xFFFFE000  }
0x4a: {  	_ =	swait.ge [sflag:s8], $0x2000  }
0x4b: {  	[sflag:s8] =	ssyncset.done $0x0  }
0x4c: {  	s1 =	rddreg [dreg:$0x7];
	[sflag:s8] =	ssyncadd.s32 $0xFFFFE000  }
0x4d: {  	[hbm4b:s1+s2] =	stream.linear.scatter [tilespmem:s4], [sflag:$0x4], $0x4000, $0x38;
	[tilespmem:$0x8A00] =	vst v63  }
0x4e: {  	_ =	swait.ge [sflag:s6], $0x4000  }
0x4f: {  	[sflag:s6] =	ssyncset.done $0x0  }
0x50: {  	[sflag:s6] =	ssyncadd.s32 $0xFFFFC000  }
0x51: {  	[tilespmem:s9], [sflag:$0x1] =	stream.indirect.gather [hbm4b:s3+s5], $0x40, s25, s5, $0xb8;
	[tilespmem:$0x8A00] =	vst v63  }
0x52: {  	_ = 	snop  }
0x53: {  	[tilespmem:s12], [sflag:$0x1] =	stream.indirect.gather [hbm4b:s3+s5], $0x40, s26, s5, $0xb8;
	[tilespmem:$0x8A00] =	vst v63  }
0x54: {  	_ =	swait.ge [sflag:s11], $0x2000  }
0x55: {  	[sflag:s11] =	ssyncset.done $0x0  }
0x56: {  	[sflag:s11] =	ssyncadd.s32 $0xFFFFE000  }
0x57: {  	_ =	swait.ge [sflag:s11], $0x2000  }
0x58: {  	[sflag:s11] =	ssyncset.done $0x0  }
0x59: {  	s1 =	rddreg [dreg:$0x8];
	[sflag:s11] =	ssyncadd.s32 $0xFFFFE000  }
0x5a: {  	[hbm4b:s1+s2] =	stream.linear.scatter [tilespmem:s9], [sflag:$0x3], $0x4000, $0x38;
	[tilespmem:$0x8A00] =	vst v63  }
0x5b: {  	_ =	swait.ge [sflag:s7], $0x4000  }
0x5c: {  	[sflag:s7] =	ssyncset.done $0x0  }
0x5d: {  	[sflag:s7] =	ssyncadd.s32 $0xFFFFC000  }
0x5e: {  	[tilespmem:s4], [sflag:$0x2] =	stream.indirect.gather [hbm4b:s3+s5], $0x40, s22, s5, $0xb8;
	[tilespmem:$0x8A00] =	vst v63  }
0x5f: {  	_ = 	snop  }
0x60: {  	[tilespmem:s10], [sflag:$0x2] =	stream.indirect.gather [hbm4b:s3+s5], $0x40, s24, s5, $0xb8;
	[tilespmem:$0x8A00] =	vst v63  }
0x61: {  	_ =	swait.ge [sflag:s8], $0x2000  }
0x62: {  	[sflag:s8] =	ssyncset.done $0x0  }
0x63: {  	[sflag:s8] =	ssyncadd.s32 $0xFFFFE000  }
0x64: {  	_ =	swait.ge [sflag:s8], $0x2000  }
0x65: {  	[sflag:s8] =	ssyncset.done $0x0  }
0x66: {  	s1 =	rddreg [dreg:$0x9];
	[sflag:s8] =	ssyncadd.s32 $0xFFFFE000  }
0x67: {  	[hbm4b:s1+s2] =	stream.linear.scatter [tilespmem:s4], [sflag:$0x4], $0x4000, $0x38;
	[tilespmem:$0x8A00] =	vst v63  }
0x68: {  	_ =	swait.ge [sflag:s6], $0x4000  }
0x69: {  	[sflag:s6] =	ssyncset.done $0x0  }
0x6a: {  	[sflag:s6] =	ssyncadd.s32 $0xFFFFC000  }
0x6b: {  	[tilespmem:s9], [sflag:$0x1] =	stream.indirect.gather [hbm4b:s3+s5], $0x40, s20, s5, $0xb8;
	[tilespmem:$0x8A00] =	vst v63  }
0x6c: {  	_ = 	snop  }
0x6d: {  	[tilespmem:s12], [sflag:$0x1] =	stream.indirect.gather [hbm4b:s3+s5], $0x40, s21, s5, $0xb8;
	[tilespmem:$0x8A00] =	vst v63  }
0x6e: {  	_ =	swait.ge [sflag:s11], $0x2000  }
0x6f: {  	[sflag:s11] =	ssyncset.done $0x0  }
0x70: {  	[sflag:s11] =	ssyncadd.s32 $0xFFFFE000  }
0x71: {  	_ =	swait.ge [sflag:s11], $0x2000  }
0x72: {  	[sflag:s11] =	ssyncset.done $0x0  }
0x73: {  	s1 =	rddreg [dreg:$0xa];
	[sflag:s11] =	ssyncadd.s32 $0xFFFFE000  }
0x74: {  	[hbm4b:s1+s2] =	stream.linear.scatter [tilespmem:s9], [sflag:$0x3], $0x4000, $0x38;
	[tilespmem:$0x8A00] =	vst v63  }
0x75: {  	_ =	swait.ge [sflag:s7], $0x4000  }
0x76: {  	[sflag:s7] =	ssyncset.done $0x0  }
0x77: {  	[sflag:s7] =	ssyncadd.s32 $0xFFFFC000  }
0x78: {  	[tilespmem:s4], [sflag:$0x2] =	stream.indirect.gather [hbm4b:s3+s5], $0x40, s18, s5, $0xb8;
	[tilespmem:$0x8A00] =	vst v63  }
0x79: {  	_ = 	snop  }
0x7a: {  	[tilespmem:s10], [sflag:$0x2] =	stream.indirect.gather [hbm4b:s3+s5], $0x40, s19, s5, $0xb8;
	[tilespmem:$0x8A00] =	vst v63  }
0x7b: {  	_ =	swait.ge [sflag:s8], $0x2000  }
0x7c: {  	[sflag:s8] =	ssyncset.done $0x0  }
0x7d: {  	[sflag:s8] =	ssyncadd.s32 $0xFFFFE000  }
0x7e: {  	_ =	swait.ge [sflag:s8], $0x2000  }
0x7f: {  	[sflag:s8] =	ssyncset.done $0x0  }
0x80: {  	s1 =	rddreg [dreg:$0xb];
	[sflag:s8] =	ssyncadd.s32 $0xFFFFE000  }
0x81: {  	[hbm4b:s1+s2] =	stream.linear.scatter [tilespmem:s4], [sflag:$0x4], $0x4000, $0x38;
	[tilespmem:$0x8A00] =	vst v63  }
0x82: {  	_ =	swait.ge [sflag:s6], $0x4000  }
0x83: {  	[sflag:s6] =	ssyncset.done $0x0  }
0x84: {  	[sflag:s6] =	ssyncadd.s32 $0xFFFFC000  }
0x85: {  	[tilespmem:s9], [sflag:$0x1] =	stream.indirect.gather [hbm4b:s3+s5], $0x40, s16, s5, $0xb8;
	[tilespmem:$0x8A00] =	vst v63  }
0x86: {  	_ = 	snop  }
0x87: {  	[tilespmem:s12], [sflag:$0x1] =	stream.indirect.gather [hbm4b:s3+s5], $0x40, s17, s5, $0xb8;
	[tilespmem:$0x8A00] =	vst v63  }
0x88: {  	_ =	swait.ge [sflag:s11], $0x2000  }
0x89: {  	[sflag:s11] =	ssyncset.done $0x0  }
0x8a: {  	[sflag:s11] =	ssyncadd.s32 $0xFFFFE000  }
0x8b: {  	_ =	swait.ge [sflag:s11], $0x2000  }
0x8c: {  	[sflag:s11] =	ssyncset.done $0x0  }
0x8d: {  	s1 =	rddreg [dreg:$0xc];
	[sflag:s11] =	ssyncadd.s32 $0xFFFFE000  }
0x8e: {  	[hbm4b:s1+s2] =	stream.linear.scatter [tilespmem:s9], [sflag:$0x3], $0x4000, $0x38;
	[tilespmem:$0x8A00] =	vst v63  }
0x8f: {  	_ =	swait.ge [sflag:s7], $0x4000  }
0x90: {  	[sflag:s7] =	ssyncset.done $0x0  }
0x91: {  	[sflag:s7] =	ssyncadd.s32 $0xFFFFC000  }
0x92: {  	[tilespmem:s4], [sflag:$0x2] =	stream.indirect.gather [hbm4b:s3+s5], $0x40, s14, s5, $0xb8;
	[tilespmem:$0x8A00] =	vst v63  }
0x93: {  	_ = 	snop  }
0x94: {  	[tilespmem:s10], [sflag:$0x2] =	stream.indirect.gather [hbm4b:s3+s5], $0x40, s15, s5, $0xb8;
	[tilespmem:$0x8A00] =	vst v63  }
0x95: {  	_ =	swait.ge [sflag:s8], $0x2000  }
0x96: {  	[sflag:s8] =	ssyncset.done $0x0  }
0x97: {  	[sflag:s8] =	ssyncadd.s32 $0xFFFFE000  }
0x98: {  	_ =	swait.ge [sflag:s8], $0x2000  }
0x99: {  	[sflag:s8] =	ssyncset.done $0x0  }
0x9a: {  	p1 =	sne.s32 s13, $0x1;
	s1 =	rddreg [dreg:$0x4];
	[sflag:s8] =	ssyncadd.s32 $0xFFFFE000  }
0x9b: {  	[hbm4b:s1+s2] =	stream.linear.scatter [tilespmem:s4], [sflag:$0x4], $0x4000, $0x38;
	[tilespmem:$0x8A00] =	vst v63  }
.Ltmp1:
0x9c: {  	_ =	swait.ge [sflag:s6], $0x4000;
	(pc) =	sbr.rel @!p1 .LBB2_3-.Ltmp1, $4  }
0x9d: {  	[sflag:s6] =	ssyncset.done $0x0  }
0x9e: {  	[sflag:s6] =	ssyncadd.s32 $0xFFFFC000  }
0x9f: {  	p0 =	por $0x1, $0x1;
	_ =	swait.ge [sflag:s7], $0x4000  }
0xa0: {  	s1 =	sadd.s32 $0xFFFFFFFF, s13;
	s0 =	rddreg [dreg:$0x3];
	[sflag:s7] =	ssyncset.done $0x0  }
.LBB2_4:
0xa1: {  	[sflag:s7] =	ssyncadd.s32 $0xFFFFC000  }
0xa2: {  	[tilespmem:s2], [sflag:$0x5] =	stream.linear.gather [hbm4b:s0+s2], $0xA00, $0x38;
	[tilespmem:$0x8A00] =	vst v63  }
0xa3: {  	_ =	swait.ge [sflag:s31], $0xA00  }
0xa4: {  	[sflag:s31] =	ssyncset.done $0x0  }
0xa5: {  	[sflag:s31] =	ssyncadd.s32 $0xFFFFF600  }
0xa6: {  	[tilespmem:s9], [sflag:$0x1] =	stream.indirect.gather [hbm4b:s3+s5], $0x40, s2, s5, $0xb8;
	[tilespmem:$0x8A00] =	vst v63  }
0xa7: {  	_ = 	snop  }
0xa8: {  	[tilespmem:s12], [sflag:$0x1] =	stream.indirect.gather [hbm4b:s3+s5], $0x40, s5, s5, $0xb8;
	[tilespmem:$0x8A00] =	vst v63  }
0xa9: {  	s0 =	rddreg [dreg:$0xd]  }
0xaa: {  	[tilespmem:s4], [sflag:$0x2] =	stream.indirect.gather [hbm4b:s3+s5], $0x40, s0, s5, $0xb8;
	[tilespmem:$0x8A00] =	vst v63  }
0xab: {  	s13 =	rddreg [dreg:$0xe]  }
0xac: {  	[tilespmem:s10], [sflag:$0x2] =	stream.indirect.gather [hbm4b:s3+s5], $0x40, s13, s5, $0xb8;
	[tilespmem:$0x8A00] =	vst v63  }
0xad: {  	_ =	swait.ge [sflag:s11], $0x2000  }
0xae: {  	[sflag:s11] =	ssyncset.done $0x0  }
0xaf: {  	[sflag:s11] =	ssyncadd.s32 $0xFFFFE000  }
0xb0: {  	_ =	swait.ge [sflag:s11], $0x2000  }
0xb1: {  	[sflag:s11] =	ssyncset.done $0x0  }
0xb2: {  	[sflag:s11] =	ssyncadd.s32 $0xFFFFE000  }
0xb3: {  	[hbm4b:s23+s2] =	stream.linear.scatter [tilespmem:s9], [sflag:$0x3], $0x4000, $0x38;
	[tilespmem:$0x8A00] =	vst v63  }
0xb4: {  	_ =	swait.ge [sflag:s8], $0x2000  }
0xb5: {  	[sflag:s8] =	ssyncset.done $0x0  }
0xb6: {  	[sflag:s8] =	ssyncadd.s32 $0xFFFFE000  }
0xb7: {  	_ =	swait.ge [sflag:s8], $0x2000  }
0xb8: {  	[sflag:s8] =	ssyncset.done $0x0  }
0xb9: {  	s13 =	rddreg [dreg:$0x5];
	[sflag:s8] =	ssyncadd.s32 $0xFFFFE000  }
0xba: {  	[hbm4b:s13+s2] =	stream.linear.scatter [tilespmem:s4], [sflag:$0x4], $0x4000, $0x38;
	[tilespmem:$0x8A00] =	vst v63  }
0xbb: {  	_ =	swait.ge [sflag:s6], $0x4000  }
0xbc: {  	[sflag:s6] =	ssyncset.done $0x0  }
0xbd: {  	s13 =	simm.s32 $0x200;
	[sflag:s6] =	ssyncadd.s32 $0xFFFFC000  }
0xbe: {  	[tilespmem:s9], [sflag:$0x1] =	stream.indirect.gather [hbm4b:s3+s5], $0x40, s13, s5, $0xb8;
	[tilespmem:$0x8A00] =	vst v63  }
0xbf: {  	_ = 	snop  }
0xc0: {  	[tilespmem:s12], [sflag:$0x1] =	stream.indirect.gather [hbm4b:s3+s5], $0x40, s30, s5, $0xb8;
	[tilespmem:$0x8A00] =	vst v63  }
0xc1: {  	_ =	swait.ge [sflag:s11], $0x2000  }
0xc2: {  	[sflag:s11] =	ssyncset.done $0x0  }
0xc3: {  	[sflag:s11] =	ssyncadd.s32 $0xFFFFE000  }
0xc4: {  	_ =	swait.ge [sflag:s11], $0x2000  }
0xc5: {  	[sflag:s11] =	ssyncset.done $0x0  }
0xc6: {  	s13 =	rddreg [dreg:$0x6];
	[sflag:s11] =	ssyncadd.s32 $0xFFFFE000  }
0xc7: {  	[hbm4b:s13+s2] =	stream.linear.scatter [tilespmem:s9], [sflag:$0x3], $0x4000, $0x38;
	[tilespmem:$0x8A00] =	vst v63  }
0xc8: {  	_ =	swait.ge [sflag:s7], $0x4000  }
0xc9: {  	[sflag:s7] =	ssyncset.done $0x0  }
0xca: {  	[sflag:s7] =	ssyncadd.s32 $0xFFFFC000  }
0xcb: {  	[tilespmem:s4], [sflag:$0x2] =	stream.indirect.gather [hbm4b:s3+s5], $0x40, s28, s5, $0xb8;
	[tilespmem:$0x8A00] =	vst v63  }
0xcc: {  	_ = 	snop  }
0xcd: {  	[tilespmem:s10], [sflag:$0x2] =	stream.indirect.gather [hbm4b:s3+s5], $0x40, s29, s5, $0xb8;
	[tilespmem:$0x8A00] =	vst v63  }
0xce: {  	_ =	swait.ge [sflag:s8], $0x2000  }
0xcf: {  	[sflag:s8] =	ssyncset.done $0x0  }
0xd0: {  	[sflag:s8] =	ssyncadd.s32 $0xFFFFE000  }
0xd1: {  	_ =	swait.ge [sflag:s8], $0x2000  }
0xd2: {  	[sflag:s8] =	ssyncset.done $0x0  }
0xd3: {  	s13 =	rddreg [dreg:$0x7];
	[sflag:s8] =	ssyncadd.s32 $0xFFFFE000  }
0xd4: {  	[hbm4b:s13+s2] =	stream.linear.scatter [tilespmem:s4], [sflag:$0x4], $0x4000, $0x38;
	[tilespmem:$0x8A00] =	vst v63  }
0xd5: {  	_ =	swait.ge [sflag:s6], $0x4000  }
0xd6: {  	[sflag:s6] =	ssyncset.done $0x0  }
0xd7: {  	[sflag:s6] =	ssyncadd.s32 $0xFFFFC000  }
0xd8: {  	[tilespmem:s9], [sflag:$0x1] =	stream.indirect.gather [hbm4b:s3+s5], $0x40, s25, s5, $0xb8;
	[tilespmem:$0x8A00] =	vst v63  }
0xd9: {  	_ = 	snop  }
0xda: {  	[tilespmem:s12], [sflag:$0x1] =	stream.indirect.gather [hbm4b:s3+s5], $0x40, s26, s5, $0xb8;
	[tilespmem:$0x8A00] =	vst v63  }
0xdb: {  	_ =	swait.ge [sflag:s11], $0x2000  }
0xdc: {  	[sflag:s11] =	ssyncset.done $0x0  }
0xdd: {  	[sflag:s11] =	ssyncadd.s32 $0xFFFFE000  }
0xde: {  	_ =	swait.ge [sflag:s11], $0x2000  }
0xdf: {  	[sflag:s11] =	ssyncset.done $0x0  }
0xe0: {  	s13 =	rddreg [dreg:$0x8];
	[sflag:s11] =	ssyncadd.s32 $0xFFFFE000  }
0xe1: {  	[hbm4b:s13+s2] =	stream.linear.scatter [tilespmem:s9], [sflag:$0x3], $0x4000, $0x38;
	[tilespmem:$0x8A00] =	vst v63  }
0xe2: {  	_ =	swait.ge [sflag:s7], $0x4000  }
0xe3: {  	[sflag:s7] =	ssyncset.done $0x0  }
0xe4: {  	[sflag:s7] =	ssyncadd.s32 $0xFFFFC000  }
0xe5: {  	[tilespmem:s4], [sflag:$0x2] =	stream.indirect.gather [hbm4b:s3+s5], $0x40, s22, s5, $0xb8;
	[tilespmem:$0x8A00] =	vst v63  }
0xe6: {  	_ = 	snop  }
0xe7: {  	[tilespmem:s10], [sflag:$0x2] =	stream.indirect.gather [hbm4b:s3+s5], $0x40, s24, s5, $0xb8;
	[tilespmem:$0x8A00] =	vst v63  }
0xe8: {  	_ =	swait.ge [sflag:s8], $0x2000  }
0xe9: {  	[sflag:s8] =	ssyncset.done $0x0  }
0xea: {  	[sflag:s8] =	ssyncadd.s32 $0xFFFFE000  }
0xeb: {  	_ =	swait.ge [sflag:s8], $0x2000  }
0xec: {  	[sflag:s8] =	ssyncset.done $0x0  }
0xed: {  	s13 =	rddreg [dreg:$0x9];
	[sflag:s8] =	ssyncadd.s32 $0xFFFFE000  }
0xee: {  	[hbm4b:s13+s2] =	stream.linear.scatter [tilespmem:s4], [sflag:$0x4], $0x4000, $0x38;
	[tilespmem:$0x8A00] =	vst v63  }
0xef: {  	_ =	swait.ge [sflag:s6], $0x4000  }
0xf0: {  	[sflag:s6] =	ssyncset.done $0x0  }
0xf1: {  	[sflag:s6] =	ssyncadd.s32 $0xFFFFC000  }
0xf2: {  	[tilespmem:s9], [sflag:$0x1] =	stream.indirect.gather [hbm4b:s3+s5], $0x40, s20, s5, $0xb8;
	[tilespmem:$0x8A00] =	vst v63  }
0xf3: {  	_ = 	snop  }
0xf4: {  	[tilespmem:s12], [sflag:$0x1] =	stream.indirect.gather [hbm4b:s3+s5], $0x40, s21, s5, $0xb8;
	[tilespmem:$0x8A00] =	vst v63  }
0xf5: {  	_ =	swait.ge [sflag:s11], $0x2000  }
0xf6: {  	[sflag:s11] =	ssyncset.done $0x0  }
0xf7: {  	[sflag:s11] =	ssyncadd.s32 $0xFFFFE000  }
0xf8: {  	_ =	swait.ge [sflag:s11], $0x2000  }
0xf9: {  	[sflag:s11] =	ssyncset.done $0x0  }
0xfa: {  	s13 =	rddreg [dreg:$0xa];
	[sflag:s11] =	ssyncadd.s32 $0xFFFFE000  }
0xfb: {  	[hbm4b:s13+s2] =	stream.linear.scatter [tilespmem:s9], [sflag:$0x3], $0x4000, $0x38;
	[tilespmem:$0x8A00] =	vst v63  }
0xfc: {  	_ =	swait.ge [sflag:s7], $0x4000  }
0xfd: {  	[sflag:s7] =	ssyncset.done $0x0  }
0xfe: {  	[sflag:s7] =	ssyncadd.s32 $0xFFFFC000  }
0xff: {  	[tilespmem:s4], [sflag:$0x2] =	stream.indirect.gather [hbm4b:s3+s5], $0x40, s18, s5, $0xb8;
	[tilespmem:$0x8A00] =	vst v63  }
0x100: {  	_ = 	snop  }
0x101: {  	[tilespmem:s10], [sflag:$0x2] =	stream.indirect.gather [hbm4b:s3+s5], $0x40, s19, s5, $0xb8;
	[tilespmem:$0x8A00] =	vst v63  }
0x102: {  	_ =	swait.ge [sflag:s8], $0x2000  }
0x103: {  	[sflag:s8] =	ssyncset.done $0x0  }
0x104: {  	[sflag:s8] =	ssyncadd.s32 $0xFFFFE000  }
0x105: {  	_ =	swait.ge [sflag:s8], $0x2000  }
0x106: {  	[sflag:s8] =	ssyncset.done $0x0  }
0x107: {  	s13 =	rddreg [dreg:$0xb];
	[sflag:s8] =	ssyncadd.s32 $0xFFFFE000  }
0x108: {  	[hbm4b:s13+s2] =	stream.linear.scatter [tilespmem:s4], [sflag:$0x4], $0x4000, $0x38;
	[tilespmem:$0x8A00] =	vst v63  }
0x109: {  	_ =	swait.ge [sflag:s6], $0x4000  }
0x10a: {  	[sflag:s6] =	ssyncset.done $0x0  }
0x10b: {  	[sflag:s6] =	ssyncadd.s32 $0xFFFFC000  }
0x10c: {  	[tilespmem:s9], [sflag:$0x1] =	stream.indirect.gather [hbm4b:s3+s5], $0x40, s16, s5, $0xb8;
	[tilespmem:$0x8A00] =	vst v63  }
0x10d: {  	_ = 	snop  }
0x10e: {  	[tilespmem:s12], [sflag:$0x1] =	stream.indirect.gather [hbm4b:s3+s5], $0x40, s17, s5, $0xb8;
	[tilespmem:$0x8A00] =	vst v63  }
0x10f: {  	_ =	swait.ge [sflag:s11], $0x2000  }
0x110: {  	[sflag:s11] =	ssyncset.done $0x0  }
0x111: {  	[sflag:s11] =	ssyncadd.s32 $0xFFFFE000  }
0x112: {  	_ =	swait.ge [sflag:s11], $0x2000  }
0x113: {  	[sflag:s11] =	ssyncset.done $0x0  }
0x114: {  	s13 =	rddreg [dreg:$0xc];
	[sflag:s11] =	ssyncadd.s32 $0xFFFFE000  }
0x115: {  	[hbm4b:s13+s2] =	stream.linear.scatter [tilespmem:s9], [sflag:$0x3], $0x4000, $0x38;
	[tilespmem:$0x8A00] =	vst v63  }
0x116: {  	_ =	swait.ge [sflag:s7], $0x4000  }
0x117: {  	[sflag:s7] =	ssyncset.done $0x0  }
0x118: {  	[sflag:s7] =	ssyncadd.s32 $0xFFFFC000  }
0x119: {  	[tilespmem:s4], [sflag:$0x2] =	stream.indirect.gather [hbm4b:s3+s5], $0x40, s14, s5, $0xb8;
	[tilespmem:$0x8A00] =	vst v63  }
0x11a: {  	_ = 	snop  }
0x11b: {  	[tilespmem:s10], [sflag:$0x2] =	stream.indirect.gather [hbm4b:s3+s5], $0x40, s15, s5, $0xb8;
	[tilespmem:$0x8A00] =	vst v63  }
0x11c: {  	_ =	swait.ge [sflag:s8], $0x2000  }
0x11d: {  	[sflag:s8] =	ssyncset.done $0x0  }
0x11e: {  	[sflag:s8] =	ssyncadd.s32 $0xFFFFE000  }
0x11f: {  	_ =	swait.ge [sflag:s8], $0x2000  }
0x120: {  	[sflag:s8] =	ssyncset.done $0x0  }
0x121: {  	p1 =	sne.s32 s1, $0x1;
	s13 =	rddreg [dreg:$0x4];
	[sflag:s8] =	ssyncadd.s32 $0xFFFFE000  }
0x122: {  	[hbm4b:s13+s2] =	stream.linear.scatter [tilespmem:s4], [sflag:$0x4], $0x4000, $0x38;
	[tilespmem:$0x8A00] =	vst v63  }
.Ltmp2:
0x123: {  	_ =	swait.ge [sflag:s6], $0x4000;
	(pc) =	sbr.rel @p1 .LBB2_4-.Ltmp2, $4  }
0x124: {  	[sflag:s6] =	ssyncset.done $0x0  }
0x125: {  	[sflag:s6] =	ssyncadd.s32 $0xFFFFC000  }
0x126: {  	_ =	swait.ge [sflag:s7], $0x4000  }
0x127: {  	s1 =	sadd.s32 $0xFFFFFFFF, s1;
	s0 =	rddreg [dreg:$0x3];
	[sflag:s7] =	ssyncset.done $0x0  }
0x128: {  	s15 =	simm.s32 $0x280  }
0x129: {  	s30 =	simm.s32 $0x200;
	s29 =	simm.s32 $0x380;
	s28 =	simm.s32 $0x300  }
0x12a: {  	s26 =	simm.s32 $0x480;
	s25 =	simm.s32 $0x400;
	s24 =	simm.s32 $0x580  }
0x12b: {  	s22 =	simm.s32 $0x500;
	s21 =	simm.s32 $0x680;
	s20 =	simm.s32 $0x600  }
0x12c: {  	s19 =	simm.s32 $0x780;
	s18 =	simm.s32 $0x700;
	s17 =	simm.s32 $0x880  }
0x12d: {  	s16 =	simm.s32 $0x800;
	s14 =	simm.s32 $0x900;
	s13 =	stileid.u32  }
.LBB2_6:
0x12e: {  	[sflag:s7] =	ssyncadd.s32 @p0 $0xFFFFC000  }
0x12f: {  	[tilespmem:s2], [sflag:$0x5] =	stream.linear.gather [hbm4b:s0+s2], $0xA00, $0x38;
	[tilespmem:$0x8A00] =	vst v63  }
0x130: {  	_ =	swait.ge [sflag:s31], $0xA00  }
0x131: {  	[sflag:s31] =	ssyncset.done $0x0  }
0x132: {  	[sflag:s31] =	ssyncadd.s32 $0xFFFFF600  }
0x133: {  	[tilespmem:s9], [sflag:$0x1] =	stream.indirect.gather [hbm4b:s3+s5], $0x40, s2, s5, $0xb8;
	[tilespmem:$0x8A00] =	vst v63  }
0x134: {  	_ = 	snop  }
0x135: {  	[tilespmem:s12], [sflag:$0x1] =	stream.indirect.gather [hbm4b:s3+s5], $0x40, s5, s5, $0xb8;
	[tilespmem:$0x8A00] =	vst v63  }
0x136: {  	s31 =	rddreg [dreg:$0xd]  }
0x137: {  	[tilespmem:s4], [sflag:$0x2] =	stream.indirect.gather [hbm4b:s3+s5], $0x40, s31, s5, $0xb8;
	[tilespmem:$0x8A00] =	vst v63  }
0x138: {  	s1 =	rddreg [dreg:$0xe]  }
0x139: {  	[tilespmem:s10], [sflag:$0x2] =	stream.indirect.gather [hbm4b:s3+s5], $0x40, s1, s5, $0xb8;
	[tilespmem:$0x8A00] =	vst v63  }
0x13a: {  	_ =	swait.ge [sflag:s11], $0x2000  }
0x13b: {  	[sflag:s11] =	ssyncset.done $0x0  }
0x13c: {  	[sflag:s11] =	ssyncadd.s32 $0xFFFFE000  }
0x13d: {  	_ =	swait.ge [sflag:s11], $0x2000  }
0x13e: {  	[sflag:s11] =	ssyncset.done $0x0  }
0x13f: {  	[sflag:s11] =	ssyncadd.s32 $0xFFFFE000  }
0x140: {  	[hbm4b:s23+s2] =	stream.linear.scatter [tilespmem:s9], [sflag:$0x3], $0x4000, $0x38;
	[tilespmem:$0x8A00] =	vst v63  }
0x141: {  	_ =	swait.ge [sflag:s8], $0x2000  }
0x142: {  	[sflag:s8] =	ssyncset.done $0x0  }
0x143: {  	[sflag:s8] =	ssyncadd.s32 $0xFFFFE000  }
0x144: {  	_ =	swait.ge [sflag:s8], $0x2000  }
0x145: {  	[sflag:s8] =	ssyncset.done $0x0  }
0x146: {  	s31 =	rddreg [dreg:$0x5];
	[sflag:s8] =	ssyncadd.s32 $0xFFFFE000  }
0x147: {  	[hbm4b:s31+s2] =	stream.linear.scatter [tilespmem:s4], [sflag:$0x4], $0x4000, $0x38;
	[tilespmem:$0x8A00] =	vst v63  }
0x148: {  	_ =	swait.ge [sflag:s6], $0x4000  }
0x149: {  	[sflag:s6] =	ssyncset.done $0x0  }
0x14a: {  	[sflag:s6] =	ssyncadd.s32 $0xFFFFC000  }
0x14b: {  	[tilespmem:s9], [sflag:$0x1] =	stream.indirect.gather [hbm4b:s3+s5], $0x40, s30, s5, $0xb8;
	[tilespmem:$0x8A00] =	vst v63  }
0x14c: {  	_ = 	snop  }
0x14d: {  	[tilespmem:s12], [sflag:$0x1] =	stream.indirect.gather [hbm4b:s3+s5], $0x40, s15, s5, $0xb8;
	[tilespmem:$0x8A00] =	vst v63  }
0x14e: {  	_ =	swait.ge [sflag:s11], $0x2000  }
0x14f: {  	[sflag:s11] =	ssyncset.done $0x0  }
0x150: {  	[sflag:s11] =	ssyncadd.s32 $0xFFFFE000  }
0x151: {  	_ =	swait.ge [sflag:s11], $0x2000  }
0x152: {  	[sflag:s11] =	ssyncset.done $0x0  }
0x153: {  	s1 =	rddreg [dreg:$0x6];
	[sflag:s11] =	ssyncadd.s32 $0xFFFFE000  }
0x154: {  	[hbm4b:s1+s2] =	stream.linear.scatter [tilespmem:s9], [sflag:$0x3], $0x4000, $0x38;
	[tilespmem:$0x8A00] =	vst v63  }
0x155: {  	_ =	swait.ge [sflag:s7], $0x4000  }
0x156: {  	[sflag:s7] =	ssyncset.done $0x0  }
0x157: {  	[sflag:s7] =	ssyncadd.s32 $0xFFFFC000  }
0x158: {  	[tilespmem:s4], [sflag:$0x2] =	stream.indirect.gather [hbm4b:s3+s5], $0x40, s28, s5, $0xb8;
	[tilespmem:$0x8A00] =	vst v63  }
0x159: {  	_ = 	snop  }
0x15a: {  	[tilespmem:s10], [sflag:$0x2] =	stream.indirect.gather [hbm4b:s3+s5], $0x40, s29, s5, $0xb8;
	[tilespmem:$0x8A00] =	vst v63  }
0x15b: {  	_ =	swait.ge [sflag:s8], $0x2000  }
0x15c: {  	[sflag:s8] =	ssyncset.done $0x0  }
0x15d: {  	[sflag:s8] =	ssyncadd.s32 $0xFFFFE000  }
0x15e: {  	_ =	swait.ge [sflag:s8], $0x2000  }
0x15f: {  	[sflag:s8] =	ssyncset.done $0x0  }
0x160: {  	s15 =	rddreg [dreg:$0x7];
	[sflag:s8] =	ssyncadd.s32 $0xFFFFE000  }
0x161: {  	[hbm4b:s15+s2] =	stream.linear.scatter [tilespmem:s4], [sflag:$0x4], $0x4000, $0x38;
	[tilespmem:$0x8A00] =	vst v63  }
0x162: {  	_ =	swait.ge [sflag:s6], $0x4000  }
0x163: {  	[sflag:s6] =	ssyncset.done $0x0  }
0x164: {  	[sflag:s6] =	ssyncadd.s32 $0xFFFFC000  }
0x165: {  	[tilespmem:s9], [sflag:$0x1] =	stream.indirect.gather [hbm4b:s3+s5], $0x40, s25, s5, $0xb8;
	[tilespmem:$0x8A00] =	vst v63  }
0x166: {  	_ = 	snop  }
0x167: {  	[tilespmem:s12], [sflag:$0x1] =	stream.indirect.gather [hbm4b:s3+s5], $0x40, s26, s5, $0xb8;
	[tilespmem:$0x8A00] =	vst v63  }
0x168: {  	_ =	swait.ge [sflag:s11], $0x2000  }
0x169: {  	[sflag:s11] =	ssyncset.done $0x0  }
0x16a: {  	[sflag:s11] =	ssyncadd.s32 $0xFFFFE000  }
0x16b: {  	_ =	swait.ge [sflag:s11], $0x2000  }
0x16c: {  	[sflag:s11] =	ssyncset.done $0x0  }
0x16d: {  	s23 =	rddreg [dreg:$0x8];
	[sflag:s11] =	ssyncadd.s32 $0xFFFFE000  }
0x16e: {  	[hbm4b:s23+s2] =	stream.linear.scatter [tilespmem:s9], [sflag:$0x3], $0x4000, $0x38;
	[tilespmem:$0x8A00] =	vst v63  }
0x16f: {  	_ =	swait.ge [sflag:s7], $0x4000  }
0x170: {  	[sflag:s7] =	ssyncset.done $0x0  }
0x171: {  	[sflag:s7] =	ssyncadd.s32 $0xFFFFC000  }
0x172: {  	[tilespmem:s4], [sflag:$0x2] =	stream.indirect.gather [hbm4b:s3+s5], $0x40, s22, s5, $0xb8;
	[tilespmem:$0x8A00] =	vst v63  }
0x173: {  	_ = 	snop  }
0x174: {  	[tilespmem:s10], [sflag:$0x2] =	stream.indirect.gather [hbm4b:s3+s5], $0x40, s24, s5, $0xb8;
	[tilespmem:$0x8A00] =	vst v63  }
0x175: {  	_ =	swait.ge [sflag:s8], $0x2000  }
0x176: {  	[sflag:s8] =	ssyncset.done $0x0  }
0x177: {  	[sflag:s8] =	ssyncadd.s32 $0xFFFFE000  }
0x178: {  	_ =	swait.ge [sflag:s8], $0x2000  }
0x179: {  	[sflag:s8] =	ssyncset.done $0x0  }
0x17a: {  	s25 =	rddreg [dreg:$0x9];
	[sflag:s8] =	ssyncadd.s32 $0xFFFFE000  }
0x17b: {  	[hbm4b:s25+s2] =	stream.linear.scatter [tilespmem:s4], [sflag:$0x4], $0x4000, $0x38;
	[tilespmem:$0x8A00] =	vst v63  }
0x17c: {  	_ =	swait.ge [sflag:s6], $0x4000  }
0x17d: {  	[sflag:s6] =	ssyncset.done $0x0  }
0x17e: {  	[sflag:s6] =	ssyncadd.s32 $0xFFFFC000  }
0x17f: {  	[tilespmem:s9], [sflag:$0x1] =	stream.indirect.gather [hbm4b:s3+s5], $0x40, s20, s5, $0xb8;
	[tilespmem:$0x8A00] =	vst v63  }
0x180: {  	_ = 	snop  }
0x181: {  	[tilespmem:s12], [sflag:$0x1] =	stream.indirect.gather [hbm4b:s3+s5], $0x40, s21, s5, $0xb8;
	[tilespmem:$0x8A00] =	vst v63  }
0x182: {  	_ =	swait.ge [sflag:s11], $0x2000  }
0x183: {  	[sflag:s11] =	ssyncset.done $0x0  }
0x184: {  	[sflag:s11] =	ssyncadd.s32 $0xFFFFE000  }
0x185: {  	_ =	swait.ge [sflag:s11], $0x2000  }
0x186: {  	[sflag:s11] =	ssyncset.done $0x0  }
0x187: {  	s26 =	rddreg [dreg:$0xa];
	[sflag:s11] =	ssyncadd.s32 $0xFFFFE000  }
0x188: {  	[hbm4b:s26+s2] =	stream.linear.scatter [tilespmem:s9], [sflag:$0x3], $0x4000, $0x38;
	[tilespmem:$0x8A00] =	vst v63  }
0x189: {  	_ =	swait.ge [sflag:s7], $0x4000  }
0x18a: {  	[sflag:s7] =	ssyncset.done $0x0  }
0x18b: {  	[sflag:s7] =	ssyncadd.s32 $0xFFFFC000  }
0x18c: {  	[tilespmem:s4], [sflag:$0x2] =	stream.indirect.gather [hbm4b:s3+s5], $0x40, s18, s5, $0xb8;
	[tilespmem:$0x8A00] =	vst v63  }
0x18d: {  	_ = 	snop  }
0x18e: {  	[tilespmem:s10], [sflag:$0x2] =	stream.indirect.gather [hbm4b:s3+s5], $0x40, s19, s5, $0xb8;
	[tilespmem:$0x8A00] =	vst v63  }
0x18f: {  	_ =	swait.ge [sflag:s8], $0x2000  }
0x190: {  	[sflag:s8] =	ssyncset.done $0x0  }
0x191: {  	[sflag:s8] =	ssyncadd.s32 $0xFFFFE000  }
0x192: {  	_ =	swait.ge [sflag:s8], $0x2000  }
0x193: {  	[sflag:s8] =	ssyncset.done $0x0  }
0x194: {  	s28 =	rddreg [dreg:$0xb];
	[sflag:s8] =	ssyncadd.s32 $0xFFFFE000  }
0x195: {  	[hbm4b:s28+s2] =	stream.linear.scatter [tilespmem:s4], [sflag:$0x4], $0x4000, $0x38;
	[tilespmem:$0x8A00] =	vst v63  }
0x196: {  	_ =	swait.ge [sflag:s6], $0x4000  }
0x197: {  	[sflag:s6] =	ssyncset.done $0x0  }
0x198: {  	[sflag:s6] =	ssyncadd.s32 $0xFFFFC000  }
0x199: {  	[tilespmem:s9], [sflag:$0x1] =	stream.indirect.gather [hbm4b:s3+s5], $0x40, s16, s5, $0xb8;
	[tilespmem:$0x8A00] =	vst v63  }
0x19a: {  	_ = 	snop  }
0x19b: {  	[tilespmem:s12], [sflag:$0x1] =	stream.indirect.gather [hbm4b:s3+s5], $0x40, s17, s5, $0xb8;
	[tilespmem:$0x8A00] =	vst v63  }
0x19c: {  	_ =	swait.ge [sflag:s11], $0x2000  }
0x19d: {  	[sflag:s11] =	ssyncset.done $0x0  }
0x19e: {  	[sflag:s11] =	ssyncadd.s32 $0xFFFFE000  }
0x19f: {  	_ =	swait.ge [sflag:s11], $0x2000  }
0x1a0: {  	[sflag:s11] =	ssyncset.done $0x0  }
0x1a1: {  	s29 =	rddreg [dreg:$0xc];
	[sflag:s11] =	ssyncadd.s32 $0xFFFFE000  }
0x1a2: {  	[hbm4b:s29+s2] =	stream.linear.scatter [tilespmem:s9], [sflag:$0x3], $0x4000, $0x38;
	[tilespmem:$0x8A00] =	vst v63  }
0x1a3: {  	_ =	swait.ge [sflag:s7], $0x4000  }
0x1a4: {  	[sflag:s7] =	ssyncset.done $0x0  }
0x1a5: {  	[sflag:s7] =	ssyncadd.s32 $0xFFFFC000  }
0x1a6: {  	[tilespmem:s4], [sflag:$0x2] =	stream.indirect.gather [hbm4b:s3+s5], $0x40, s14, s5, $0xb8;
	[tilespmem:$0x8A00] =	vst v63  }
0x1a7: {  	s30 =	simm.s32 $0x980  }
0x1a8: {  	[tilespmem:s10], [sflag:$0x2] =	stream.indirect.gather [hbm4b:s3+s5], $0x40, s30, s5, $0xb8;
	[tilespmem:$0x8A00] =	vst v63  }
0x1a9: {  	_ =	swait.ge [sflag:s8], $0x2000  }
0x1aa: {  	[sflag:s8] =	ssyncset.done $0x0  }
0x1ab: {  	[sflag:s8] =	ssyncadd.s32 $0xFFFFE000  }
0x1ac: {  	_ =	swait.ge [sflag:s8], $0x2000  }
0x1ad: {  	[sflag:s8] =	ssyncset.done $0x0  }
0x1ae: {  	s31 =	rddreg [dreg:$0x4];
	[sflag:s8] =	ssyncadd.s32 $0xFFFFE000  }
0x1af: {  	[hbm4b:s31+s2] =	stream.linear.scatter [tilespmem:s4], [sflag:$0x4], $0x4000, $0x38;
	[tilespmem:$0x8A00] =	vst v63  }
0x1b0: {  	_ =	swait.ge [sflag:s6], $0x4000  }
0x1b1: {  	[sflag:s6] =	ssyncset.done $0x0  }
0x1b2: {  	[sflag:s6] =	ssyncadd.s32 $0xFFFFC000  }
0x1b3: {  	_ =	swait.ge [sflag:s7], $0x4000  }
0x1b4: {  	[sflag:s7] =	ssyncset.done $0x0  }
0x1b5: {  	[sflag:s7] =	ssyncadd.s32 $0xFFFFC000  }
0x1b6: {  	_ =	sfence.sel $0x180000  }
0x1b7: {  	[bflag:$0x0] =	sbarrier.arrive $0xFFFF  }
0x1b8: {  	_ =	strace $0x9000004A  }
0x1b9: {  	[bflag:$0x2] =	sbarrier.arrive $0xFFFF  }
0x1ba: {  	p0 =	sne.s32 s13, $0x0;
	s0 =	rddreg [dreg:$0x2]  }
0x1bb: {  	s0 =	sadd.s32 @!p0 $0x100000, s0  }
0x1bc: {  	[sflag:s0] =	ssyncadd.tile.s32 @!p0 $0x1;
	_ =	shalt  }
.LBB2_1:
0x1bd: {  	s15 =	simm.s32 $0x280  }
.Ltmp3:
0x1be: {  	s30 =	simm.s32 $0x200;
	s29 =	simm.s32 $0x380;
	(pc) =	sbr.rel .LBB2_6-.Ltmp3, $4  }
0x1bf: {  	s28 =	simm.s32 $0x300;
	s26 =	simm.s32 $0x480;
	s25 =	simm.s32 $0x400  }
0x1c0: {  	s24 =	simm.s32 $0x580;
	s22 =	simm.s32 $0x500;
	s21 =	simm.s32 $0x680  }
0x1c1: {  	s20 =	simm.s32 $0x600;
	s19 =	simm.s32 $0x780;
	s18 =	simm.s32 $0x700  }
0x1c2: {  	s17 =	simm.s32 $0x880;
	s16 =	simm.s32 $0x800;
	s14 =	simm.s32 $0x900  }
.LBB2_3:
0x1c3: {  	s15 =	simm.s32 $0x280;
	s30 =	simm.s32 $0x200  }
.Ltmp4:
0x1c4: {  	s29 =	simm.s32 $0x380;
	s28 =	simm.s32 $0x300;
	(pc) =	sbr.rel .LBB2_6-.Ltmp4, $4  }
0x1c5: {  	s26 =	simm.s32 $0x480;
	s25 =	simm.s32 $0x400;
	s24 =	simm.s32 $0x580  }
0x1c6: {  	s22 =	simm.s32 $0x500;
	s21 =	simm.s32 $0x680;
	s20 =	simm.s32 $0x600  }
0x1c7: {  	s19 =	simm.s32 $0x780;
	s18 =	simm.s32 $0x700;
	s17 =	simm.s32 $0x880  }
0x1c8: {  	s16 =	simm.s32 $0x800;
	s14 =	simm.s32 $0x900;
	s13 =	stileid.u32  }
.Lfunc_end2:
_tile_overlayer_lowered:
.L_overlay_start_2:
0x1c9: {  	(tag) =	ssettag $0x2  }
0x1ca: {  	s0 =	rddreg [dreg:$0x0];
	s2 =	stileid.u32  }
0x1cb: {  	s1 =	rddreg [dreg:$0x1];
	p0 =	sne.s32 s2, $0x0  }
0x1cc: {  	s3 =	rddreg [dreg:$0x2];
	[bflag:$0x3] =	sbarrier.arrive $0xFFFF;
	s2 =	simm.s32 @!p0 $0x1C05  }
0x1cd: {  	[timem:s3], [sflag:s2] =	dma.local @!p0 [hbm:s0], s1  }
0x1ce: {  	s0 =	simm.s32 @!p0 $0x5  }
0x1cf: {  	_ =	swait.ge @!p0 [sflag:s0], s1  }
0x1d0: {  	s1 =	ssub.s32 @!p0 $0x0, s1;
	[sflag:s0] =	ssyncset.done @!p0 $0x0  }
0x1d1: {  	[sflag:s0] =	ssyncadd.s32 @!p0 s1  }
0x1d2: {  	[bflag:$0x3] =	sbarrier.arrive $0xFFFF  }
0x1d3: {  	_ =	shalt  }

// kernel: kernel.7.cloned.1.call-start
scs
__scs_entry_jumppad:
0x0: {  	(pc) =	sbr.rel $0x88, $3  }
0x1: {  	(tag) =	ssettag $0x0;
	lr =	simm.s32 $0x1  }
0x2: {  	[smem:$0x3F9E] =	sst lr;
	_ =	strace $0xD0000000  }
0x3: {  	_ = 	snop  }
0x4: {  	_ = 	snop  }
0x5: {  	_ = 	snop  }
0x6: {  	_ = 	snop  }
0x7: {  	_ = 	snop  }
__scs_overlays_trampoline_lowered:
0x8: {  	[smem:$0x3FAD] =	sst s0  }
0x9: {  	[smem:$0x3FAE] =	sst s1  }
0xa: {  	[smem:$0x3FAF] =	sst s2  }
0xb: {  	[smem:$0x3FB0] =	sst s3  }
0xc: {  	[smem:$0x3FB1] =	sst s4  }
0xd: {  	[smem:$0x3FB2] =	sst s5  }
0xe: {  	[smem:$0x3FB3] =	sst s6  }
0xf: {  	[smem:$0x3FB4] =	sst s7  }
0x10: {  	[smem:$0x3FB5] =	sst s8  }
0x11: {  	[smem:$0x3FB6] =	sst s9;
	s0 =	simm.s32 @!p0 $0x0  }
0x12: {  	s1 =	sld [smem:$0x3F9C];
	s0 =	simm.s32 @p0 $0x1  }
0x13: {  	[smem:$0x3FB7] =	sst s0;
	s0 =	simm.s32 @!p1 $0x0  }
0x14: {  	s2 =	sld [smem:$0x3F9B];
	s0 =	simm.s32 @p1 $0x1  }
0x15: {  	[smem:$0x3FB8] =	sst s0;
	s0 =	simm.s32 @!p2 $0x0  }
0x16: {  	s3 =	sld [smem:$0x3FDB];
	s0 =	simm.s32 @p2 $0x1  }
0x17: {  	s4 =	simm.s32 $0x1BF5;
	[smem:$0x3FBA] =	sst s0  }
0x18: {  	s0 =	sld [smem:$0x3F9D];
	_ =	swait.ge [sflag:s4], $0x0  }
0x19: {  	s7 =	sld [smem:$0x3F9E]  }
0x1a: {  	s8 =	sadd.s32 $0xFFFFE003, lr  }
0x1b: {  	s9 =	sadd.s32 $0xFFFFFEF7, lr;
	s5 =	simm.s32 $0xFFFFFFFF;
	p2 =	slt.u32 s8, $0xFFFFF086  }
0x1c: {  	p1 =	slt.u32 s9, $0xF7A;
	s5 =	simm.s32 @!p2 $0x0  }
0x1d: {  	s5 =	simm.s32 @p1 $0x1;
	p0 =	seq.s32 s7, s2  }
0x1e: {  	s7 =	smul.u32 @!p0 $0xF7A, s2;
	p2 =	seq.s32 @!p0 s5, $0x0  }
0x1f: {  	s9 =	smul.u32 $0xF7A, s1;
	s8 =	simm.s32 @!p0 $0x1BF5;
	p2 =	por !p2, p0  }
0x20: {  	[sflag:s8] =	ssyncset.s32 @!p0 $0xFFFFF086;
	s6 =	sadd.s32 @!p0 s3, s7;
	s7 =	simm.s32 @!p0 $0x108  }
0x21: {  	s3 =	sadd.s32 s3, s9;
	s6 =	sadd.s32 @!p0 $0x88, s6;
	s7 =	simm.s32 @p2 $0x1082  }
0x22: {  	[simem:s7], [sflag:s8] =	dma.local @!p0 [hbm:s6], $0xF7A  }
0x23: {  	s9 =	sor.u32 $0xD0000000, s2;
	s6 =	simm.s32 $0x108;
	_ =	swait.ge @!p0 [sflag:s8], $0x0  }
0x24: {  	s3 =	sadd.s32 $0x88, s3;
	s6 =	simm.s32 @!p1 $0x1082;
	[sflag:s4] =	ssyncset.s32 $0xFFFFF086  }
0x25: {  	[simem:s6], [sflag:s4] =	dma.local [hbm:s3], $0xF7A  }
0x26: {  	[smem:$0x3F9E] =	sst s1;
	(tag) =	ssettag s2;
	_ =	strace s9  }
0x27: {  	s1 =	sld [smem:$0x3FAE]  }
0x28: {  	s2 =	sld [smem:$0x3FAF]  }
0x29: {  	s4 =	sld [smem:$0x3FB1]  }
0x2a: {  	p0 =	seq.s32 s5, $0x0;
	s5 =	sld [smem:$0x3FB2]  }
0x2b: {  	s6 =	sld [smem:$0x3FB3]  }
0x2c: {  	s7 =	sld [smem:$0x3FB4]  }
0x2d: {  	s3 =	simm.s32 $0x108;
	s8 =	sld [smem:$0x3FB5]  }
0x2e: {  	s3 =	simm.s32 @!p0 $0x1082;
	s9 =	sld [smem:$0x3FB6]  }
0x2f: {  	lr =	sadd.s32 s0, s3;
	s0 =	sld [smem:$0x3FAD]  }
0x30: {  	s3 =	sld [smem:$0x3FB0]  }
0x31: {  	[smem:$0x3FB9] =	sst s10  }
0x32: {  	s10 =	sld [smem:$0x3FB7];
	_ =	sdelay $0x3  }
0x33: {  	p0 =	seq.s32 s10, $0x1;
	s10 =	sld [smem:$0x3FB9];
	_ =	sdelay $0x3  }
0x34: {  	[smem:$0x3FB9] =	sst s10  }
0x35: {  	s10 =	sld [smem:$0x3FB8];
	_ =	sdelay $0x3  }
0x36: {  	p1 =	seq.s32 s10, $0x1;
	s10 =	sld [smem:$0x3FB9];
	_ =	sdelay $0x3  }
0x37: {  	[smem:$0x3FB9] =	sst s10  }
0x38: {  	s10 =	sld [smem:$0x3FBA]  }
0x39: {  	_ = 	snop;
	(pc) =	sbr.ind lr, $3  }
0x3a: {  	_ = 	snop  }
0x3b: {  	_ = 	snop  }
0x3c: {  	p2 =	seq.s32 s10, $0x1;
	s10 =	sld [smem:$0x3FB9]  }
0x3d: {  	_ =	shalt  }
0x3e: {  	_ =	shalt  }
0x3f: {  	_ =	shalt  }
0x40: {  	_ =	shalt  }
0x41: {  	_ =	shalt  }
0x42: {  	_ =	shalt  }
0x43: {  	_ =	shalt  }
0x44: {  	_ =	shalt  }
0x45: {  	_ =	shalt  }
0x46: {  	_ =	shalt  }
0x47: {  	_ =	shalt  }
0x48: {  	_ =	shalt  }
0x49: {  	_ =	shalt  }
0x4a: {  	_ =	shalt  }
0x4b: {  	_ =	shalt  }
0x4c: {  	_ =	shalt  }
0x4d: {  	_ =	shalt  }
0x4e: {  	_ =	shalt  }
0x4f: {  	_ =	shalt  }
0x50: {  	_ =	shalt  }
0x51: {  	_ =	shalt  }
0x52: {  	_ =	shalt  }
0x53: {  	_ =	shalt  }
0x54: {  	_ =	shalt  }
0x55: {  	_ =	shalt  }
0x56: {  	_ =	shalt  }
0x57: {  	_ =	shalt  }
0x58: {  	_ =	shalt  }
0x59: {  	_ =	shalt  }
0x5a: {  	_ =	shalt  }
0x5b: {  	_ =	shalt  }
0x5c: {  	_ =	shalt  }
0x5d: {  	_ =	shalt  }
0x5e: {  	_ =	shalt  }
0x5f: {  	_ =	shalt  }
0x60: {  	_ =	shalt  }
0x61: {  	_ =	shalt  }
0x62: {  	_ =	shalt  }
0x63: {  	_ =	shalt  }
0x64: {  	_ =	shalt  }
0x65: {  	_ =	shalt  }
0x66: {  	_ =	shalt  }
0x67: {  	_ =	shalt  }
0x68: {  	_ =	shalt  }
0x69: {  	_ =	shalt  }
0x6a: {  	_ =	shalt  }
0x6b: {  	_ =	shalt  }
0x6c: {  	_ =	shalt  }
0x6d: {  	_ =	shalt  }
0x6e: {  	_ =	shalt  }
0x6f: {  	_ =	shalt  }
0x70: {  	_ =	shalt  }
0x71: {  	_ =	shalt  }
0x72: {  	_ =	shalt  }
0x73: {  	_ =	shalt  }
0x74: {  	_ =	shalt  }
0x75: {  	_ =	shalt  }
0x76: {  	_ =	shalt  }
0x77: {  	_ =	shalt  }
0x78: {  	_ =	shalt  }
0x79: {  	_ =	shalt  }
0x7a: {  	_ =	shalt  }
0x7b: {  	_ =	shalt  }
0x7c: {  	_ =	shalt  }
0x7d: {  	_ =	shalt  }
0x7e: {  	_ =	shalt  }
0x7f: {  	_ =	shalt  }
0x80: {  	_ =	shalt  }
0x81: {  	_ =	shalt  }
0x82: {  	_ =	shalt  }
0x83: {  	_ =	shalt  }
0x84: {  	_ =	shalt  }
0x85: {  	_ =	shalt  }
0x86: {  	_ =	shalt  }
0x87: {  	_ =	shalt  }
.Lfunc_end0:
.L_simem_size_0:
called_computation.2_lowered:
.L_overlay_start_0:
0x88: {  	s2 =	sld [smem:$0x3FD9]  }
0x89: {  	s3 =	sld [smem:$0x3FFE];
	_ =	sdelay $0x1  }
0x8a: {  	s1 =	srdreg.scid  }
0x8b: {  	s0 =	sand.u32 $0x1, s1  }
0x8c: {  	s14 =	sshll.u32 s0, $0xA;
	s2 =	sadd.s32 s3, s2  }
0x8d: {  	s2 =	sadd.s32 s2, s14  }
0x8e: {  	[smem:$0x3FC5] =	sst s2  }
0x8f: {  	_ = 	snop  }
0x90: {  	s2 =	sld [smem:$0x3FD0];
	_ =	sdelay $0x2  }
0x91: {  	s15 =	simm.s32 $0xB;
	s4 =	simm.s32 $0x10  }
0x92: {  	[smem:s4], [sflag:s15] =	dma.local [hbm:s2], $0x1  }
0x93: {  	_ =	swait.eq [sflag:s15], $0x1  }
0x94: {  	[sflag:s15] =	ssyncset.done $0x0  }
0x95: {  	[sflag:s15] =	ssyncadd.s32 $0xFFFFFFFF  }
0x96: {  	s16 =	sld [smem:$0x10];
	(tm) =	ssettm $0x1  }
0x97: {  	s17 =	sld [smem:$0x3FFB];
	_ =	sdelay $0x3  }
0x98: {  	_ =	strace s17  }
0x99: {  	s3 =	sld [smem:$0x3FFC];
	_ =	sdelay $0x3  }
0x9a: {  	_ =	strace s3  }
0x9b: {  	s3 =	sld [smem:$0x3FFD];
	_ =	sdelay $0x3  }
0x9c: {  	_ =	strace s3  }
0x9d: {  	_ =	strace $0x8FFFFFFF  }
0x9e: {  	s18 =	sld [smem:$0x3FDB];
	_ =	sdelay $0x1  }
0x9f: {  	s19 =	simm.s32 $_scs_section_size  }
0xa0: {  	s5 =	simm.s32 $_size__tile_overlayer_lowered;
	s6 =	simm.s32 $_tile_overlayer_lowered  }
0xa1: {  	s22 =	simm.s32 $0x1BFF;
	s21 =	sshll.u32 s6, $0x1;
	s3 =	sadd.s32 s19, s18  }
0xa2: {  	s7 =	simm.s32 $0x0;
	s20 =	sshll.u32 s5, $0x1;
	s5 =	sadd.s32 s21, s3  }
0xa3: {  	[timem:s7], [sflag:s22] =	dma.local [hbm:s5], s20  }
0xa4: {  	_ =	swait.ge [sflag:s22], s20  }
0xa5: {  	s4 =	ssub.s32 $0x0, s20;
	[sflag:s22] =	ssyncset.done $0x0  }
0xa6: {  	[sflag:s22] =	ssyncadd.s32 s4;
	_ =	sdelay $0x1  }
0xa7: {  	s23 =	simm.s32 $0x1B8B  }
0xa8: {  	_ =	swait.ge [sflag:s23], $0x1  }
0xa9: {  	[sflag:s23] =	ssyncset.done $0x0  }
0xaa: {  	s25 =	simm.s32 $0x1B8E;
	s24 =	sld [smem:$0x3FFE];
	[sflag:s23] =	ssyncadd.s32 $0xFFFFFFFF  }
0xab: {  	s26 =	simm.s32 $execute0_lowered;
	[smem:$0x3FD2] =	sst s25  }
0xac: {  	s5 =	sshll.u32 s26, $0x1;
	_ =	strace $0x80000046;
	[dreg:$0x1] =	wrdreg $0xFFFFFFFF  }
0xad: {  	s28 =	simm.s32 $_size_execute0_lowered;
	s3 =	sadd.s32 s3, s5;
	[dreg:$0x0] =	wrdreg $0x0  }
0xae: {  	s5 =	sshll.u32 s28, $0x1;
	[dreg:$0x2] =	wrdreg s3  }
0xaf: {  	[dreg:$0x3] =	wrdreg s5  }
0xb0: {  	[dreg:$0x4] =	wrdreg $0xC0  }
0xb1: {  	_ =	task [dreg:s7], $0x5FFFF  }
0xb2: {  	[dreg:$0x1] =	wrdreg $0xFFFFFFFF  }
0xb3: {  	[dreg:$0x0] =	wrdreg $0x60  }
0xb4: {  	[dreg:$0x2] =	wrdreg s24  }
0xb5: {  	[dreg:$0x3] =	wrdreg s16  }
0xb6: {  	[dreg:$0x4] =	wrdreg $0xA  }
0xb7: {  	_ =	task.clear_ibuf [dreg:s7], $0x5FFFF;
	_ =	strace $0x90000046  }
0xb8: {  	s29 =	simm.s32 $0xA;
	_ =	strace $0x80000048  }
0xb9: {  	_ =	swait.ge [sflag:s29], $0x1  }
0xba: {  	[sflag:s29] =	ssyncadd.s32 $0xFFFFFFFF  }
0xbb: {  	_ =	strace $0x90000048  }
0xbc: {  	_ =	sfence  }
0xbd: {  	s30 =	sld [smem:$0x0];
	_ =	sdelay $0x2  }
0xbe: {  	s31 =	sshll.u32 s1, $0xD;
	s1 =	sshrl.u32 s1, $0x2  }
0xbf: {  	s3 =	sand.u32 $0x4000, s31;
	s1 =	sadd.s32 s1, s30  }
0xc0: {  	s0 =	sor.u32 s3, s0;
	s1 =	sshll.u32 s1, $0x11  }
0xc1: {  	s0 =	sor.u32 s1, s0  }
0xc2: {  	s0 =	sadd.s32 $0x8F2B, s0  }
0xc3: {  	[sflag:s0] =	ssyncadd.remote.s32 $0x1  }
0xc4: {  	_ =	sfence.sel $0xFFFF  }
0xc5: {  	[dreg:$0x0] =	wrdreg $0xFFFFFFFF;
	(pc) =	sbr.abs _section_cstart, $3  }
0xc6: {  	[dreg:$0x1] =	wrdreg $0xFFFFFFFF  }
0xc7: {  	_ =	task.clear_ibuf [dreg:s7], $0x2FFFF;
	_ =	strace $0x9FFFFFFF  }
0xc8: {  	(tm) =	ssettm $0x7FFFFFFF  }
0xc9: {  	_ =	shalt  }
tec
execute0_lowered:
.L_overlay_start_1:
0x0: {  	(tag) =	ssettag $0x1  }
0x1: {  	s0 =	srdreg.scid;
	s5 =	rddreg [dreg:$0x0]  }
0x2: {  	s12 =	stileid.u32;
	s2 =	rddreg [dreg:$0x1];
	s3 =	simm.s32 $0x0  }
0x3: {  	s13 =	simm.s32 $0x6400;
	s14 =	simm.s32 $0x8400;
	s16 =	simm.s32 $0xA400  }
0x4: {  	s18 =	simm.s32 $0xC400;
	s20 =	simm.s32 $0xE400;
	s22 =	simm.s32 $0x10400  }
0x5: {  	s23 =	simm.s32 $0x300;
	s24 =	simm.s32 $0x12400;
	s28 =	simm.s32 $0x1  }
0x6: {  	s29 =	simm.s32 $0x2;
	s30 =	simm.s32 $0x3;
	s9 =	smul.u32 $0x64000, s12  }
0x7: {  	s31 =	simm.s32 $0x4;
	s0 =	sand.u32 $0x1, s0;
	s25 =	smul.u32 $0x320000, s12  }
0x8: {  	s1 =	sshll.u32 s12, $0x1;
	[smem:$0x7FF] =	sst s3;
	s11 =	smul.u32 $0x32000, s0  }
0x9: {  	s1 =	sor.u32 s0, s1;
	s8 =	ssub.s32 $0x2, s0;
	s0 =	smul.u32 $0x190000, s0  }
0xa: {  	s4 =	sadd.s32 $0x19E00, s5;
	s12 =	simm.s32 $0x80;
	s6 =	smul.u32 $0xC80, s1  }
0xb: {  	_ =	strace $0x80000047;
	s7 =	smul.u32 $0x32000, s1;
	s10 =	sshrl.u32 s8, $0x1  }
0xc: {  	s1 =	smul.u32 $0x190000, s1;
	s9 =	sadd.s32 s9, s2;
	s8 =	ssub.s32 s8, s10  }
0xd: {  	s26 =	sadd.s32 s11, s9;
	s0 =	sadd.s32 s0, s25;
	s11 =	simm.s32 $0x5  }
0xe: {  	s25 =	simm.s32 $0x380;
	s5 =	sadd.s32 s6, s5;
	s1 =	sshrl.u32 s1, $0x3  }
0xf: {  	s6 =	sadd.s32 s2, s7;
	s8 =	smax.u32 s8, $0x1;
	s9 =	sadd.s32 $0x1000, s26  }
0x10: {  	s10 =	sadd.s32 $0x10000, s0;
	s26 =	simm.s32 $0x14400;
	s1 =	sadd.s32 s2, s1  }
0x11: {  	s5 =	sadd.s32 $0xE00, s5;
	s7 =	sadd.s32 $0x31000, s1;
	s1 =	simm.s32 $0x0  }
.LBB2_1:
0x12: {  	[tilespmem:s3], [sflag:$0x5] =	stream.linear.gather [hbm4b:s5+s3], $0x6400, $0x38;
	[tilespmem:$0x16400] =	vst v63  }
0x13: {  	_ =	swait.ge [sflag:s11], $0x6400  }
0x14: {  	[sflag:s11] =	ssyncset.done $0x0  }
0x15: {  	[sflag:s11] =	ssyncadd.s32 $0xFFFF9C00  }
0x16: {  	[tilespmem:s13], [sflag:$0x1] =	stream.indirect.gather [hbm4b:s4+s12], $0x40, s3, s12, $0xb8;
	[tilespmem:$0x16400] =	vst v63  }
0x17: {  	_ = 	snop  }
0x18: {  	[tilespmem:s14], [sflag:$0x1] =	stream.indirect.gather [hbm4b:s4+s12], $0x40, s12, s12, $0xb8;
	[tilespmem:$0x16400] =	vst v63  }
0x19: {  	s0 =	simm.s32 $0x100  }
0x1a: {  	[tilespmem:s16], [sflag:$0x1] =	stream.indirect.gather [hbm4b:s4+s12], $0x40, s0, s12, $0xb8;
	[tilespmem:$0x16400] =	vst v63  }
0x1b: {  	s17 =	simm.s32 $0x180  }
0x1c: {  	[tilespmem:s18], [sflag:$0x1] =	stream.indirect.gather [hbm4b:s4+s12], $0x40, s17, s12, $0xb8;
	[tilespmem:$0x16400] =	vst v63  }
0x1d: {  	s19 =	simm.s32 $0x200  }
0x1e: {  	[tilespmem:s20], [sflag:$0x2] =	stream.indirect.gather [hbm4b:s4+s12], $0x40, s19, s12, $0xb8;
	[tilespmem:$0x16400] =	vst v63  }
0x1f: {  	s21 =	simm.s32 $0x280  }
0x20: {  	[tilespmem:s22], [sflag:$0x2] =	stream.indirect.gather [hbm4b:s4+s12], $0x40, s21, s12, $0xb8;
	[tilespmem:$0x16400] =	vst v63  }
0x21: {  	_ = 	snop  }
0x22: {  	[tilespmem:s24], [sflag:$0x2] =	stream.indirect.gather [hbm4b:s4+s12], $0x40, s23, s12, $0xb8;
	[tilespmem:$0x16400] =	vst v63  }
0x23: {  	_ = 	snop  }
0x24: {  	[tilespmem:s26], [sflag:$0x2] =	stream.indirect.gather [hbm4b:s4+s12], $0x40, s25, s12, $0xb8;
	[tilespmem:$0x16400] =	vst v63  }
0x25: {  	_ =	swait.ge [sflag:s28], $0x2000  }
0x26: {  	[sflag:s28] =	ssyncset.done $0x0  }
0x27: {  	[sflag:s28] =	ssyncadd.s32 $0xFFFFE000  }
0x28: {  	_ =	swait.ge [sflag:s28], $0x2000  }
0x29: {  	[sflag:s28] =	ssyncset.done $0x0  }
0x2a: {  	[sflag:s28] =	ssyncadd.s32 $0xFFFFE000  }
0x2b: {  	_ =	swait.ge [sflag:s28], $0x2000  }
0x2c: {  	[sflag:s28] =	ssyncset.done $0x0  }
0x2d: {  	[sflag:s28] =	ssyncadd.s32 $0xFFFFE000  }
0x2e: {  	_ =	swait.ge [sflag:s28], $0x2000  }
0x2f: {  	[sflag:s28] =	ssyncset.done $0x0  }
0x30: {  	[sflag:s28] =	ssyncadd.s32 $0xFFFFE000  }
0x31: {  	[hbm4b:s6+s3] =	stream.linear.scatter [tilespmem:s13], [sflag:$0x3], $0x8000, $0x38;
	[tilespmem:$0x16400] =	vst v63  }
0x32: {  	_ =	swait.ge [sflag:s29], $0x2000  }
0x33: {  	[sflag:s29] =	ssyncset.done $0x0  }
0x34: {  	[sflag:s29] =	ssyncadd.s32 $0xFFFFE000  }
0x35: {  	_ =	swait.ge [sflag:s29], $0x2000  }
0x36: {  	[sflag:s29] =	ssyncset.done $0x0  }
0x37: {  	[sflag:s29] =	ssyncadd.s32 $0xFFFFE000  }
0x38: {  	_ =	swait.ge [sflag:s29], $0x2000  }
0x39: {  	[sflag:s29] =	ssyncset.done $0x0  }
0x3a: {  	[sflag:s29] =	ssyncadd.s32 $0xFFFFE000  }
0x3b: {  	_ =	swait.ge [sflag:s29], $0x2000  }
0x3c: {  	[sflag:s29] =	ssyncset.done $0x0  }
0x3d: {  	[sflag:s29] =	ssyncadd.s32 $0xFFFFE000  }
0x3e: {  	[hbm4b:s9+s3] =	stream.linear.scatter [tilespmem:s20], [sflag:$0x4], $0x8000, $0x38;
	[tilespmem:$0x16400] =	vst v63  }
0x3f: {  	_ =	swait.ge [sflag:s30], $0x8000  }
0x40: {  	[sflag:s30] =	ssyncset.done $0x0  }
0x41: {  	s15 =	simm.s32 $0x400;
	[sflag:s30] =	ssyncadd.s32 $0xFFFF8000  }
0x42: {  	[tilespmem:s13], [sflag:$0x1] =	stream.indirect.gather [hbm4b:s4+s12], $0x40, s15, s12, $0xb8;
	[tilespmem:$0x16400] =	vst v63  }
0x43: {  	s17 =	simm.s32 $0x480  }
0x44: {  	[tilespmem:s14], [sflag:$0x1] =	stream.indirect.gather [hbm4b:s4+s12], $0x40, s17, s12, $0xb8;
	[tilespmem:$0x16400] =	vst v63  }
0x45: {  	s19 =	simm.s32 $0x500  }
0x46: {  	[tilespmem:s16], [sflag:$0x1] =	stream.indirect.gather [hbm4b:s4+s12], $0x40, s19, s12, $0xb8;
	[tilespmem:$0x16400] =	vst v63  }
0x47: {  	s21 =	simm.s32 $0x580  }
0x48: {  	[tilespmem:s18], [sflag:$0x1] =	stream.indirect.gather [hbm4b:s4+s12], $0x40, s21, s12, $0xb8;
	[tilespmem:$0x16400] =	vst v63  }
0x49: {  	_ =	swait.ge [sflag:s28], $0x2000  }
0x4a: {  	[sflag:s28] =	ssyncset.done $0x0  }
0x4b: {  	[sflag:s28] =	ssyncadd.s32 $0xFFFFE000  }
0x4c: {  	_ =	swait.ge [sflag:s28], $0x2000  }
0x4d: {  	[sflag:s28] =	ssyncset.done $0x0  }
0x4e: {  	[sflag:s28] =	ssyncadd.s32 $0xFFFFE000  }
0x4f: {  	_ =	swait.ge [sflag:s28], $0x2000  }
0x50: {  	[sflag:s28] =	ssyncset.done $0x0  }
0x51: {  	[sflag:s28] =	ssyncadd.s32 $0xFFFFE000  }
0x52: {  	_ =	swait.ge [sflag:s28], $0x2000  }
0x53: {  	s15 =	sshrl.u32 s10, $0x3;
	[sflag:s28] =	ssyncset.done $0x0  }
0x54: {  	s0 =	sadd.s32 s2, s15;
	[sflag:s28] =	ssyncadd.s32 $0xFFFFE000  }
0x55: {  	[hbm4b:s0+s3] =	stream.linear.scatter [tilespmem:s13], [sflag:$0x3], $0x8000, $0x38;
	[tilespmem:$0x16400] =	vst v63  }
0x56: {  	_ =	swait.ge [sflag:s31], $0x8000  }
0x57: {  	[sflag:s31] =	ssyncset.done $0x0  }
0x58: {  	s17 =	simm.s32 $0x600;
	[sflag:s31] =	ssyncadd.s32 $0xFFFF8000  }
0x59: {  	[tilespmem:s20], [sflag:$0x2] =	stream.indirect.gather [hbm4b:s4+s12], $0x40, s17, s12, $0xb8;
	[tilespmem:$0x16400] =	vst v63  }
0x5a: {  	s15 =	sadd.s32 $0x2000, s9;
	s19 =	simm.s32 $0x680;
	s21 =	simm.s32 $0x700  }
0x5b: {  	[tilespmem:s22], [sflag:$0x2] =	stream.indirect.gather [hbm4b:s4+s12], $0x40, s19, s12, $0xb8;
	[tilespmem:$0x16400] =	vst v63  }
0x5c: {  	s0 =	simm.s32 $0x1000;
	s17 =	sadd.s32 $0x10000, s10;
	s19 =	simm.s32 $0x780  }
0x5d: {  	[tilespmem:s24], [sflag:$0x2] =	stream.indirect.gather [hbm4b:s4+s12], $0x40, s21, s12, $0xb8;
	[tilespmem:$0x16400] =	vst v63  }
.LBB2_2:
0x5e: {  	[tilespmem:s26], [sflag:$0x2] =	stream.indirect.gather [hbm4b:s4+s12], $0x40, s19, s12, $0xb8;
	[tilespmem:$0x16400] =	vst v63  }
0x5f: {  	s19 =	smov.u32 s0  }
0x60: {  	p0 =	sne.s32 s0, $0x17000;
	s0 =	sadd.s32 $0x1000, s0;
	_ =	swait.ge [sflag:s29], $0x2000  }
0x61: {  	[sflag:s29] =	ssyncset.done $0x0  }
0x62: {  	[sflag:s29] =	ssyncadd.s32 $0xFFFFE000  }
0x63: {  	_ =	swait.ge [sflag:s29], $0x2000  }
0x64: {  	[sflag:s29] =	ssyncset.done $0x0  }
0x65: {  	[sflag:s29] =	ssyncadd.s32 $0xFFFFE000  }
0x66: {  	_ =	swait.ge [sflag:s29], $0x2000  }
0x67: {  	[sflag:s29] =	ssyncset.done $0x0  }
0x68: {  	[sflag:s29] =	ssyncadd.s32 $0xFFFFE000  }
0x69: {  	_ =	swait.ge [sflag:s29], $0x2000  }
0x6a: {  	[sflag:s29] =	ssyncset.done $0x0  }
0x6b: {  	[sflag:s29] =	ssyncadd.s32 $0xFFFFE000  }
0x6c: {  	[hbm4b:s15+s3] =	stream.linear.scatter [tilespmem:s20], [sflag:$0x4], $0x8000, $0x38;
	[tilespmem:$0x16400] =	vst v63  }
0x6d: {  	_ =	swait.ge [sflag:s30], $0x8000  }
0x6e: {  	s19 =	sshra.s32 s19, $0x2;
	[sflag:s30] =	ssyncset.done $0x0  }
0x6f: {  	s21 =	sadd.s32 $0x400, s19;
	[sflag:s30] =	ssyncadd.s32 $0xFFFF8000  }
0x70: {  	[tilespmem:s13], [sflag:$0x1] =	stream.indirect.gather [hbm4b:s4+s12], $0x40, s21, s12, $0xb8;
	[tilespmem:$0x16400] =	vst v63  }
0x71: {  	s21 =	sadd.s32 $0x480, s19  }
0x72: {  	[tilespmem:s14], [sflag:$0x1] =	stream.indirect.gather [hbm4b:s4+s12], $0x40, s21, s12, $0xb8;
	[tilespmem:$0x16400] =	vst v63  }
0x73: {  	s21 =	sadd.s32 $0x500, s19  }
0x74: {  	[tilespmem:s16], [sflag:$0x1] =	stream.indirect.gather [hbm4b:s4+s12], $0x40, s21, s12, $0xb8;
	[tilespmem:$0x16400] =	vst v63  }
0x75: {  	s21 =	sadd.s32 $0x580, s19  }
0x76: {  	[tilespmem:s18], [sflag:$0x1] =	stream.indirect.gather [hbm4b:s4+s12], $0x40, s21, s12, $0xb8;
	[tilespmem:$0x16400] =	vst v63  }
0x77: {  	_ =	swait.ge [sflag:s28], $0x2000  }
0x78: {  	[sflag:s28] =	ssyncset.done $0x0  }
0x79: {  	[sflag:s28] =	ssyncadd.s32 $0xFFFFE000  }
0x7a: {  	_ =	swait.ge [sflag:s28], $0x2000  }
0x7b: {  	[sflag:s28] =	ssyncset.done $0x0  }
0x7c: {  	[sflag:s28] =	ssyncadd.s32 $0xFFFFE000  }
0x7d: {  	_ =	swait.ge [sflag:s28], $0x2000  }
0x7e: {  	[sflag:s28] =	ssyncset.done $0x0  }
0x7f: {  	[sflag:s28] =	ssyncadd.s32 $0xFFFFE000  }
0x80: {  	_ =	swait.ge [sflag:s28], $0x2000  }
0x81: {  	s21 =	sshrl.u32 s17, $0x3;
	[sflag:s28] =	ssyncset.done $0x0  }
0x82: {  	s21 =	sadd.s32 s2, s21;
	[sflag:s28] =	ssyncadd.s32 $0xFFFFE000  }
0x83: {  	[hbm4b:s21+s3] =	stream.linear.scatter [tilespmem:s13], [sflag:$0x3], $0x8000, $0x38;
	[tilespmem:$0x16400] =	vst v63  }
0x84: {  	_ =	swait.ge [sflag:s31], $0x8000  }
0x85: {  	[sflag:s31] =	ssyncset.done $0x0  }
0x86: {  	s21 =	sadd.s32 $0x600, s19;
	[sflag:s31] =	ssyncadd.s32 $0xFFFF8000  }
0x87: {  	[tilespmem:s20], [sflag:$0x2] =	stream.indirect.gather [hbm4b:s4+s12], $0x40, s21, s12, $0xb8;
	[tilespmem:$0x16400] =	vst v63  }
.Ltmp0:
0x88: {  	s21 =	sadd.s32 $0x680, s19;
	(pc) =	sbr.rel @p0 .LBB2_2-.Ltmp0, $4  }
0x89: {  	[tilespmem:s22], [sflag:$0x2] =	stream.indirect.gather [hbm4b:s4+s12], $0x40, s21, s12, $0xb8;
	[tilespmem:$0x16400] =	vst v63  }
0x8a: {  	s21 =	sadd.s32 $0x700, s19  }
0x8b: {  	[tilespmem:s24], [sflag:$0x2] =	stream.indirect.gather [hbm4b:s4+s12], $0x40, s21, s12, $0xb8;
	[tilespmem:$0x16400] =	vst v63  }
0x8c: {  	s15 =	sadd.s32 $0x2000, s15;
	s17 =	sadd.s32 $0x10000, s17;
	s19 =	sadd.s32 $0x780, s19  }
0x8d: {  	[tilespmem:s26], [sflag:$0x2] =	stream.indirect.gather [hbm4b:s4+s12], $0x40, s19, s12, $0xb8;
	[tilespmem:$0x16400] =	vst v63  }
0x8e: {  	_ =	swait.ge [sflag:s29], $0x2000  }
0x8f: {  	[sflag:s29] =	ssyncset.done $0x0  }
0x90: {  	[sflag:s29] =	ssyncadd.s32 $0xFFFFE000  }
0x91: {  	_ =	swait.ge [sflag:s29], $0x2000  }
0x92: {  	[sflag:s29] =	ssyncset.done $0x0  }
0x93: {  	[sflag:s29] =	ssyncadd.s32 $0xFFFFE000  }
0x94: {  	_ =	swait.ge [sflag:s29], $0x2000  }
0x95: {  	[sflag:s29] =	ssyncset.done $0x0  }
0x96: {  	[sflag:s29] =	ssyncadd.s32 $0xFFFFE000  }
0x97: {  	_ =	swait.ge [sflag:s29], $0x2000  }
0x98: {  	[sflag:s29] =	ssyncset.done $0x0  }
0x99: {  	s1 =	sadd.s32 $0x1, s1;
	[sflag:s29] =	ssyncadd.s32 $0xFFFFE000  }
0x9a: {  	[hbm4b:s7+s3] =	stream.linear.scatter [tilespmem:s20], [sflag:$0x4], $0x8000, $0x38;
	[tilespmem:$0x16400] =	vst v63  }
0x9b: {  	p0 =	sne.s32 s1, s8;
	_ =	swait.ge [sflag:s30], $0x8000  }
.Ltmp1:
0x9c: {  	[sflag:s30] =	ssyncset.done $0x0;
	(pc) =	sbr.rel @p0 .LBB2_1-.Ltmp1, $4  }
0x9d: {  	[sflag:s30] =	ssyncadd.s32 $0xFFFF8000  }
0x9e: {  	_ =	swait.ge [sflag:s31], $0x8000  }
0x9f: {  	[sflag:s31] =	ssyncset.done $0x0  }
0xa0: {  	[sflag:s31] =	ssyncadd.s32 $0xFFFF8000  }
0xa1: {  	_ =	sfence.sel $0x180000  }
0xa2: {  	[bflag:$0x0] =	sbarrier.arrive $0xFFFF  }
0xa3: {  	_ =	strace $0x90000047  }
0xa4: {  	s0 =	stileid.u32;
	[bflag:$0x2] =	sbarrier.arrive $0xFFFF  }
0xa5: {  	p0 =	sne.s32 s0, $0x0;
	s0 =	rddreg [dreg:$0x2]  }
0xa6: {  	s0 =	sadd.s32 @!p0 $0x100000, s0  }
0xa7: {  	[sflag:s0] =	ssyncadd.tile.s32 @!p0 $0x1;
	_ =	shalt  }
.Lfunc_end2:
_tile_overlayer_lowered:
.L_overlay_start_2:
0xa8: {  	(tag) =	ssettag $0x2  }
0xa9: {  	s0 =	rddreg [dreg:$0x0];
	s2 =	stileid.u32  }
0xaa: {  	s1 =	rddreg [dreg:$0x1];
	p0 =	sne.s32 s2, $0x0  }
0xab: {  	s3 =	rddreg [dreg:$0x2];
	[bflag:$0x3] =	sbarrier.arrive $0xFFFF;
	s2 =	simm.s32 @!p0 $0x1C05  }
0xac: {  	[timem:s3], [sflag:s2] =	dma.local @!p0 [hbm:s0], s1  }
0xad: {  	s0 =	simm.s32 @!p0 $0x5  }
0xae: {  	_ =	swait.ge @!p0 [sflag:s0], s1  }
0xaf: {  	s1 =	ssub.s32 @!p0 $0x0, s1;
	[sflag:s0] =	ssyncset.done @!p0 $0x0  }
0xb0: {  	[sflag:s0] =	ssyncadd.s32 @!p0 s1  }
0xb1: {  	[bflag:$0x3] =	sbarrier.arrive $0xFFFF  }
0xb2: {  	_ =	shalt  }

// kernel: sparse-core-data-format-call.cloned.1.call-start
scs
called_computation_lowered:
.L_overlay_start_0:
0x0: {  	s2 =	sld [smem:$0x3FD9]  }
0x1: {  	s3 =	sld [smem:$0x3FFE];
	_ =	sdelay $0x1  }
0x2: {  	s1 =	srdreg.scid  }
0x3: {  	s0 =	sand.u32 $0x1, s1  }
0x4: {  	s16 =	sshll.u32 s0, $0xA;
	s2 =	sadd.s32 s3, s2  }
0x5: {  	s2 =	sadd.s32 s2, s16  }
0x6: {  	[smem:$0x3FC5] =	sst s2  }
0x7: {  	_ = 	snop  }
0x8: {  	s2 =	sld [smem:$0x3FD0];
	_ =	sdelay $0x2  }
0x9: {  	s17 =	simm.s32 $0xB;
	s4 =	simm.s32 $0x10  }
0xa: {  	[smem:s4], [sflag:s17] =	dma.local [hbm:s2], $0x1  }
0xb: {  	_ =	swait.eq [sflag:s17], $0x1  }
0xc: {  	[sflag:s17] =	ssyncset.done $0x0  }
0xd: {  	[sflag:s17] =	ssyncadd.s32 $0xFFFFFFFF  }
0xe: {  	s18 =	sld [smem:$0x10];
	(tm) =	ssettm $0x1  }
0xf: {  	s19 =	sld [smem:$0x3FFB];
	_ =	sdelay $0x3  }
0x10: {  	_ =	strace s19  }
0x11: {  	s2 =	sld [smem:$0x3FFC];
	_ =	sdelay $0x3  }
0x12: {  	_ =	strace s2  }
0x13: {  	s2 =	sld [smem:$0x3FFD];
	_ =	sdelay $0x3  }
0x14: {  	_ =	strace s2  }
0x15: {  	_ =	strace $0x8FFFFFFF  }
0x16: {  	s20 =	sld [smem:$0x3FDB];
	_ =	sdelay $0x1  }
0x17: {  	s21 =	simm.s32 $_scs_section_size  }
0x18: {  	s5 =	simm.s32 $_size__tile_overlayer_lowered;
	s6 =	simm.s32 $_tile_overlayer_lowered  }
0x19: {  	s7 =	simm.s32 $0x1BFF;
	s22 =	sshll.u32 s6, $0x1;
	s4 =	sadd.s32 s21, s20  }
0x1a: {  	s23 =	simm.s32 $0x0;
	s5 =	sshll.u32 s5, $0x1;
	s6 =	sadd.s32 s22, s4  }
0x1b: {  	[timem:s23], [sflag:s7] =	dma.local [hbm:s6], s5  }
0x1c: {  	_ =	swait.ge [sflag:s7], s5  }
0x1d: {  	s5 =	ssub.s32 $0x0, s5;
	[sflag:s7] =	ssyncset.done $0x0  }
0x1e: {  	[sflag:s7] =	ssyncadd.s32 s5;
	_ =	sdelay $0x1  }
0x1f: {  	s24 =	simm.s32 $0x1B8B  }
0x20: {  	_ =	swait.ge [sflag:s24], $0x1  }
0x21: {  	[sflag:s24] =	ssyncset.done $0x0  }
0x22: {  	[sflag:s24] =	ssyncadd.s32 $0xFFFFFFFF  }
0x23: {  	s5 =	sld [smem:$0x0]  }
0x24: {  	s6 =	sand.u32 $0xFFFFFFFE, s1  }
0x25: {  	p0 =	sne.s32 s1, s6  }
0x26: {  	s6 =	sshll.u32 @p0 s6, $0xE  }
0x27: {  	s6 =	sadd.s32 @p0 $0x11B8D, s6;
	s7 =	sshll.u32 @p0 s5, $0x11  }
0x28: {  	s6 =	sor.u32 @p0 s7, s6  }
0x29: {  	[sflag:s6] =	ssyncadd.remote.s32 @p0 $0x1;
	_ =	sdelay $0x1  }
0x2a: {  	s6 =	simm.s32 @p0 $0x1B8D  }
0x2b: {  	_ =	swait.eq @p0 [sflag:s6], $0x1  }
0x2c: {  	[sflag:s6] =	ssyncadd.s32 @p0 $0xFFFFFFFF  }
0x2d: {  	s7 =	sshll.u32 @!p0 s1, $0xE  }
0x2e: {  	s7 =	sor.u32 @!p0 $0x4000, s7;
	s6 =	simm.s32 @!p0 $0x1B8D  }
0x2f: {  	s5 =	sshll.u32 @!p0 s5, $0x11;
	s7 =	sadd.s32 @!p0 $0x11B8D, s7;
	_ =	swait.eq @!p0 [sflag:s6], $0x1  }
0x30: {  	s5 =	sor.u32 @!p0 s5, s7;
	[sflag:s6] =	ssyncadd.s32 @!p0 $0xFFFFFFFF  }
0x31: {  	s26 =	simm.s32 $0x1B8E;
	s25 =	sld [smem:$0x3FFE];
	[sflag:s5] =	ssyncadd.remote.s32 @!p0 $0x1  }
0x32: {  	s27 =	simm.s32 $execute0_lowered;
	[smem:$0x3FD2] =	sst s26  }
0x33: {  	s6 =	sshll.u32 s27, $0x1;
	_ =	strace $0x8000004C;
	[dreg:$0x1] =	wrdreg $0xFFFFFFFF  }
0x34: {  	s28 =	simm.s32 $_size_execute0_lowered;
	s4 =	sadd.s32 s4, s6;
	[dreg:$0x0] =	wrdreg $0x0  }
0x35: {  	s6 =	sshll.u32 s28, $0x1;
	[dreg:$0x2] =	wrdreg s4  }
0x36: {  	[dreg:$0x3] =	wrdreg s6  }
0x37: {  	[dreg:$0x4] =	wrdreg $0xC0  }
0x38: {  	_ =	task [dreg:s23], $0x5FFFF  }
0x39: {  	[dreg:$0x1] =	wrdreg $0xFFFFFFFF  }
0x3a: {  	[dreg:$0x0] =	wrdreg $0x60  }
0x3b: {  	[dreg:$0x2] =	wrdreg s25  }
0x3c: {  	[dreg:$0x3] =	wrdreg s18  }
0x3d: {  	[dreg:$0x4] =	wrdreg $0xA  }
0x3e: {  	_ =	task.clear_ibuf [dreg:s23], $0x5FFFF;
	_ =	strace $0x9000004C  }
0x3f: {  	s29 =	simm.s32 $0xA;
	_ =	strace $0x8000004E  }
0x40: {  	_ =	swait.ge [sflag:s29], $0x1  }
0x41: {  	[sflag:s29] =	ssyncadd.s32 $0xFFFFFFFF  }
0x42: {  	_ =	strace $0x9000004E  }
0x43: {  	_ =	sfence  }
0x44: {  	s30 =	sld [smem:$0x0];
	_ =	sdelay $0x2  }
0x45: {  	s31 =	sshll.u32 s1, $0xD;
	s1 =	sshrl.u32 s1, $0x2  }
0x46: {  	s4 =	sand.u32 $0x4000, s31;
	s1 =	sadd.s32 s1, s30  }
0x47: {  	s0 =	sor.u32 s4, s0;
	s1 =	sshll.u32 s1, $0x11  }
0x48: {  	s0 =	sor.u32 s1, s0  }
0x49: {  	s0 =	sadd.s32 $0x8F2B, s0  }
0x4a: {  	[sflag:s0] =	ssyncadd.remote.s32 $0x1  }
0x4b: {  	_ =	sfence.sel $0xFFFF  }
0x4c: {  	[dreg:$0x0] =	wrdreg $0xFFFFFFFF;
	(pc) =	sbr.abs _section_cstart, $3  }
0x4d: {  	[dreg:$0x1] =	wrdreg $0xFFFFFFFF  }
0x4e: {  	_ =	task.clear_ibuf [dreg:s23], $0x2FFFF;
	_ =	strace $0x9FFFFFFF  }
0x4f: {  	(tm) =	ssettm $0x7FFFFFFF  }
tec
execute0_lowered:
.L_overlay_start_1:
0x0: {  	(tag) =	ssettag $0x1  }
0x1: {  	s0 =	srdreg.scid  }
0x2: {  	s1 =	sshll.u32 s0, $0x4  }
0x3: {  	s0 =	stileid.u32;
	s1 =	sand.u32 $0x10, s1  }
0x4: {  	s1 =	sor.u32 s0, s1  }
0x5: {  	s6 =	rddreg [dreg:$0x0];
	s4 =	simm.s32 $0x1;
	s2 =	sshll.u32 s1, $0x7  }
0x6: {  	s7 =	simm.s32 $0x2;
	s12 =	simm.s32 $0x0;
	s1 =	ssub.s32 $0x1000, s2  }
0x7: {  	s8 =	simm.s32 $0x8000;
	s13 =	simm.s32 $0x0;
	s3 =	sand.u32 $0xF80, s1  }
0x8: {  	s9 =	simm.s32 $0x0;
	s5 =	sshrl.u32 s1, $0xC;
	p0 =	sne.s32 s3, $0x0  }
.Ltmp0:
0x9: {  	s1 =	rddreg [dreg:$0x2];
	s4 =	simm.s32 @!p0 $0x0;
	(pc) =	sbr.rel .LBB1_1-.Ltmp0, $4  }
0xa: {  	s11 =	simm.s32 $0x0;
	s3 =	rddreg [dreg:$0x1];
	s5 =	sadd.s32 s4, s5  }
0xb: {  	_ =	strace $0x8000004D;
	s4 =	simm.s32 $0x1;
	s5 =	smul.u32 $0xC8, s5  }
0xc: {  	s6 =	sadd.s32 $0xDFC00, s6;
	s10 =	smov.u32 s2;
	[sflag:s4] =	ssyncpa.u1 $0x0  }
0xd: {  	p0 =	por $0x0, $0x0;
	[sflag:s7] =	ssyncpa.u1 $0x0;
	s7 =	sor.u32 $0x1, s5  }
.LBB1_4:
0xe: {  	s16 =	sshll.u32 s13, $0x3;
	s17 =	sand.u32 $0x78, s13  }
0xf: {  	s30 =	sand.u32 $0x7E00, s13;
	s12 =	sshll.u32 s12, $0xF;
	s16 =	sand.u32 $0xC00, s16  }
0x10: {  	[tilespmem:s15+$0x810 ss:$0x81] =	vst.msk $0xffff, v2;
	s31 =	sand.u32 $0x7, s13;
	s16 =	sor.u32 s17, s16;
	s17 =	sadd.s32 s3, s30  }
0x11: {  	[tilespmem:s15+$0x1020 ss:$0x81] =	vst.msk $0xffff, v0;
	s13 =	sshll.u32 s31, $0x12;
	s12 =	sadd.s32 s12, s17;
	s16 =	sshrl.u32 s16, $0x3  }
0x12: {  	[tilespmem:s15+$0x0 ss:$0x81] =	vst.msk $0xffff, v1;
	s13 =	sor.u32 $0x400, s13;
	s12 =	sadd.s32 s16, s12  }
0x13: {  	[hbm4b:s12+s13] =	stream.strided.scatter [tilespmem:s14], [sflag:$0x2], $0x2000, s8, s13, $0x20;
	[tilespmem:$0x8080] =	vst v63  }
.LBB1_5:
0x14: {  	s14 =	sadd.s32 $0x1, s9  }
0x15: {  	s12 =	sadd.s32 $0x1000, s10;
	s16 =	smov.u32 s10;
	p2 =	sgt.s32 s14, $0xC7  }
0x16: {  	s16 =	smov.u32 @p2 s12  }
0x17: {  	s14 =	simm.s32 @p2 $0x0;
	p2 =	sgt.s32 s16, $0xFFF  }
0x18: {  	s16 =	smov.u32 @p2 s2;
	p2 =	sne.s32 s11, s7  }
.Ltmp1:
0x19: {  	p1 =	slt.u32 s11, $0x2;
	(pc) =	sbr.rel @!p2 .LBB1_6-.Ltmp1, $4  }
0x1a: {  	s15 =	simm.s32 @!p1 $0x2  }
0x1b: {  	s13 =	smov.u32 s10;
	p0 =	por !p0, !p0;
	_ =	swait.ge @!p1 [sflag:s15], $0x2000  }
0x1c: {  	s12 =	smov.u32 s9;
	[sflag:s15] =	ssyncset.done @!p1 $0x0;
	s9 =	smov.u32 s14  }
0x1d: {  	s11 =	sadd.s32 $0x1, s11;
	[sflag:s15] =	ssyncadd.s32 @!p1 $0xFFFFE000;
	s10 =	smov.u32 s16  }
.LBB1_1:
0x1e: {  	p1 =	sge.u32 s11, s5  }
0x1f: {  	s14 =	sand.u32 @!p1 $0x1FFFFFF, s9  }
0x20: {  	s15 =	smulhi.u32 @!p1 $0x147AE15, s14;
	_ =	sdelay $0x1  }
0x21: {  	s15 =	smul.u32 @!p1 $0xC8, s15  }
0x22: {  	s16 =	sxor.u32 @!p1 $0xFFFFFFFF, s11;
	s17 =	smul.u32 @!p1 $0xC80, s10  }
0x23: {  	s31 =	sadd.s32 $0xFFFFFFFF, s11;
	s16 =	sshll.u32 @!p1 s16, $0xD;
	s14 =	ssub.s32 @!p1 s14, s15  }
0x24: {  	s15 =	sand.u32 @!p1 $0x2000, s16;
	s16 =	sadd.s32 @!p1 s6, s17;
	s14 =	sshll.u32 @!p1 s14, $0x4  }
0x25: {  	s17 =	simm.s32 @!p1 $0x6400;
	s14 =	sadd.s32 @!p1 s14, s16;
	s16 =	simm.s32 @!p1 $0x40  }
0x26: {  	[tilespmem:s15], [sflag:$0x1] =	stream.strided.gather @!p1 [hbm4b:s14+s16], $0x2000, s17, s16, $0x38;
	[tilespmem:$0x8080] =	vst v63  }
0x27: {  	p1 =	sge.u32 s31, s5  }
.Ltmp2:
0x28: {  	_ = 	snop;
	(pc) =	sbr.rel @p1 .LBB1_5-.Ltmp2, $1  }
0x29: {  	_ =	sdelay $0x3  }
0x2a: {  	s14 =	simm.s32 $0x1  }
0x2b: {  	_ =	swait.ge [sflag:s4], $0x2000;
	s14 =	simm.s32 @!p0 $0x0  }
0x2c: {  	[sflag:s4] =	ssyncset.done $0x0;
	s15 =	sshll.u32 s14, $0xD  }
0x2d: {  	[sflag:s4] =	ssyncadd.s32 $0xFFFFE000;
	s18 =	sor.u32 $0x20, s15  }
0x2e: {  	s14 =	smul.u32 $0x8100, s14;
	v3 =	vld [tilespmem:s18+$0x10]  }
0x2f: {  	s30 =	sand.u32 $0x1, s11;
	v2 =	vld [tilespmem:s18+$0xFFFFFFF0]  }
0x30: {  	s15 =	smul.u32 $0x8100, s30;
	s14 =	sshrl.u32 s14, $0x2;
	v0 =	vld [tilespmem:s18+$0x0]  }
0x31: {  	v1 =	vld [tilespmem:s18+$0xFFFFFFE0];
	s16 =	sor.u32 $0x4000, s14  }
0x32: {  	s31 =	sshrl.u32 s15, $0x2;
	s15 =	sadd.s32 $0x0, s16  }
0x33: {  	s17 =	simm.s32 $0x4;
	s18 =	sadd.s32 $0x40, s18;
	s14 =	sor.u32 $0x4000, s31;
	[tilespmem:s15+$0x1830 ss:$0x81] =	vst.msk $0xffff, v3  }
.LBB1_3:
0x34: {  	v3 =	vld [tilespmem:s18+$0x10];
	p1 =	sne.s32 s17, $0x1FC;
	[tilespmem:s15+$0x810 ss:$0x81] =	vst.msk $0xffff, v2;
	s19 =	smov.u32 s17;
	s17 =	sadd.s32 $0x4, s17  }
.Ltmp3:
0x35: {  	v2 =	vld [tilespmem:s18+$0xFFFFFFF0];
	[tilespmem:s15+$0x1020 ss:$0x81] =	vst.msk $0xffff, v0;
	(pc) =	sbr.rel @p1 .LBB1_3-.Ltmp3, $4  }
0x36: {  	v0 =	vld [tilespmem:s18+$0x0];
	[tilespmem:s15+$0x0 ss:$0x81] =	vst.msk $0xffff, v1  }
0x37: {  	s15 =	sshra.s32 s19, $0x2;
	v1 =	vld [tilespmem:s18+$0xFFFFFFE0]  }
0x38: {  	s15 =	sadd.s32 s15, s16  }
0x39: {  	s18 =	sadd.s32 $0x40, s18;
	[tilespmem:s15+$0x1830 ss:$0x81] =	vst.msk $0xffff, v3  }
.Ltmp4:
0x3a: {  	_ = 	snop;
	(pc) =	sbr.rel .LBB1_4-.Ltmp4, $1  }
0x3b: {  	_ =	sdelay $0x3  }
.LBB1_6:
0x3c: {  	_ =	sfence.sel $0x180000  }
0x3d: {  	s2 =	simm.s32 $0x1;
	[bflag:$0x0] =	sbarrier.arrive $0xFFFF  }
0x3e: {  	s31 =	simm.s32 $0x2;
	[sflag:s2] =	ssyncpa.u1 $0x1  }
0x3f: {  	[sflag:s31] =	ssyncpa.u1 $0x1  }
0x40: {  	p0 =	sne.s32 s0, $0x0;
	_ =	strace $0x9000004D  }
0x41: {  	s0 =	sadd.s32 @!p0 $0x100000, s1;
	[bflag:$0x2] =	sbarrier.arrive $0xFFFF  }
0x42: {  	[sflag:s0] =	ssyncadd.tile.s32 @!p0 $0x1;
	_ =	shalt  }
.Lfunc_end1:
_tile_overlayer_lowered:
.L_overlay_start_2:
0x43: {  	(tag) =	ssettag $0x2  }
0x44: {  	s0 =	rddreg [dreg:$0x0];
	s2 =	stileid.u32  }
0x45: {  	s1 =	rddreg [dreg:$0x1];
	p0 =	sne.s32 s2, $0x0  }
0x46: {  	s3 =	rddreg [dreg:$0x2];
	[bflag:$0x3] =	sbarrier.arrive $0xFFFF;
	s2 =	simm.s32 @!p0 $0x1C01  }
0x47: {  	[timem:s3], [sflag:s2] =	dma.local @!p0 [hbm:s0], s1  }
0x48: {  	s0 =	simm.s32 @!p0 $0x1  }
0x49: {  	_ =	swait.ge @!p0 [sflag:s0], s1  }
0x4a: {  	s1 =	ssub.s32 @!p0 $0x0, s1;
	[sflag:s0] =	ssyncset.done @!p0 $0x0  }
0x4b: {  	[sflag:s0] =	ssyncadd.s32 @!p0 s1  }
0x4c: {  	[bflag:$0x3] =	sbarrier.arrive $0xFFFF  }
0x4d: {  	_ =	shalt  }

</sc_bundles>
